<compile_context>
chip_gen: v7x
topology: tpu7x:2x2x1
jax: 0.10.2.dev20260603
libtpu: 0.0.44.dev20260713+nightly
codegen_flags: <defaults>
</compile_context>

<pallas_src>
import functools

import jax
import jax.numpy as jnp
from jax import lax
from jax.experimental import pallas as pl
from jax.experimental.pallas import tpu as pltpu
from jax.experimental.pallas import tpu_sc as plsc

_VOCAB = 100000
_EMBED = 64
_CTX = 200
_HIDDEN = 128

_CB = 8192
_NFULL = _VOCAB // _CB
_TAIL = _VOCAB - _NFULL * _CB
_PADV = (_NFULL + 1) * _CB
_NBUF = 4


def _sc_embed_sum(idx, table):
    mesh = plsc.VectorSubcoreMesh(core_axis_name="c", subcore_axis_name="s")

    @functools.partial(
        pl.kernel,
        out_type=jax.ShapeDtypeStruct((_EMBED,), jnp.float32),
        mesh=mesh,
        scratch_types=[
            pltpu.VMEM((_CTX,), jnp.int32),
            pltpu.VMEM((_CTX, _EMBED), jnp.float32),
            pltpu.VMEM((_EMBED,), jnp.float32),
            pltpu.SemaphoreType.DMA,
        ],
        compiler_params=pltpu.CompilerParams(use_tc_tiling_on_sc=False),
    )
    def k(idx_hbm, table_hbm, out_hbm, idx_v, rows_v, acc_v, sem):
        cid = lax.axis_index("c")
        sid = lax.axis_index("s")
        wid = sid * 2 + cid

        @pl.when(wid == 0)
        def _():
            pltpu.sync_copy(idx_hbm, idx_v)
            pltpu.async_copy(table_hbm.at[idx_v], rows_v, sem).wait()

            def body(r, carry):
                return tuple(
                    c + rows_v[r, pl.ds(16 * i, 16)] for i, c in enumerate(carry)
                )

            z = jnp.zeros((16,), jnp.float32)
            acc = lax.fori_loop(0, _CTX, body, (z, z, z, z))
            for i in range(4):
                acc_v[pl.ds(16 * i, 16)] = acc[i]
            pltpu.sync_copy(acc_v, out_hbm)

    return k(idx, table)


def _tc_body(emb_ref, w1_ref, b1_ref, b2_ref, w2_hbm, out_ref,
             bufs, tail_buf, out_s, sems, tail_sem):
    h = jnp.maximum(
        jax.lax.dot_general(
            emb_ref[...], w1_ref[...], (((1,), (0,)), ((), ())),
            preferred_element_type=jnp.float32,
        ) + b1_ref[...],
        0.0,
    )

    def chunk_copy(c, slot):
        return pltpu.make_async_copy(
            w2_hbm.at[:, pl.ds(c * _CB, _CB)], bufs.at[slot], sems.at[slot]
        )

    for k in range(_NBUF):
        chunk_copy(k, k).start()
    tail_cp = pltpu.make_async_copy(
        w2_hbm.at[:, pl.ds(_NFULL * _CB, _TAIL)], tail_buf, tail_sem
    )
    tail_cp.start()

    for c in range(_NFULL):
        slot = c % _NBUF
        chunk_copy(c, slot).wait()
        blk = jax.lax.dot_general(
            h, bufs[slot], (((1,), (0,)), ((), ())),
            preferred_element_type=jnp.float32,
        ) + b2_ref[:, pl.ds(c * _CB, _CB)]
        out_s[:, pl.ds(c * _CB, _CB)] = blk
        nxt = c + _NBUF
        if nxt < _NFULL:
            chunk_copy(nxt, slot).start()

    tail_cp.wait()
    blk_t = jax.lax.dot_general(
        h, tail_buf[...], (((1,), (0,)), ((), ())),
        preferred_element_type=jnp.float32,
    ) + b2_ref[:, pl.ds(_NFULL * _CB, _TAIL)]
    out_s[:, pl.ds(_NFULL * _CB, _TAIL)] = blk_t

    full = out_s[...]
    col = lax.broadcasted_iota(jnp.int32, (1, _PADV), 1)
    valid = col < _VOCAB
    m = jnp.max(jnp.where(valid, full, -jnp.inf))
    e = jnp.where(valid, jnp.exp(full - m), 0.0)
    lse = m + jnp.log(jnp.sum(e))
    out_ref[...] = (full - lse)[:, :_VOCAB]


def _tc_mlp(embeds, W1, b1, W2, b2):
    return pl.pallas_call(
        _tc_body,
        in_specs=[
            pl.BlockSpec((1, _EMBED), lambda: (0, 0)),
            pl.BlockSpec((_EMBED, _HIDDEN), lambda: (0, 0)),
            pl.BlockSpec((1, _HIDDEN), lambda: (0, 0)),
            pl.BlockSpec((1, _VOCAB), lambda: (0, 0)),
            pl.BlockSpec(memory_space=pl.ANY),
        ],
        out_specs=pl.BlockSpec((1, _VOCAB), lambda: (0, 0)),
        out_shape=jax.ShapeDtypeStruct((1, _VOCAB), jnp.float32),
        scratch_shapes=[
            pltpu.VMEM((_NBUF, _HIDDEN, _CB), jnp.float32),
            pltpu.VMEM((_HIDDEN, _TAIL), jnp.float32),
            pltpu.VMEM((1, _PADV), jnp.float32),
            pltpu.SemaphoreType.DMA((_NBUF,)),
            pltpu.SemaphoreType.DMA,
        ],
    )(embeds.reshape(1, _EMBED), W1, b1.reshape(1, _HIDDEN),
      b2.reshape(1, _VOCAB), W2)


def kernel(inputs, emb_table, W1, b1, W2, b2):
    idx = inputs.astype(jnp.int32)
    embeds = _sc_embed_sum(idx, emb_table)
    log_probs = _tc_mlp(embeds, W1, b1, W2, b2)
    return (log_probs, embeds)

# --- scband reference (transcript-rebuilt; emitter-appended) ---
"""Pipeline reference for scband-ngram-language-modeler-7619271983295 (READ-ONLY COPY).

The authoritative reference and input builder live on the scoring server;
editing this copy changes nothing except your own understanding.
"""

import jax, jax.numpy as jnp
import numpy as np

VOCAB = 100000
EMBED_DIM = 64
CONTEXT = 200
HIDDEN = 128


def setup_inputs(seed: int = 0) -> dict:
    key = jax.random.key(seed)
    k1, k2, k3, k4, k5, k6 = jax.random.split(key, 6)
    inputs = jax.random.randint(k1, (CONTEXT,), 0, VOCAB, dtype=jnp.int64) if jax.config.jax_enable_x64 else jax.random.randint(k1, (CONTEXT,), 0, VOCAB, dtype=jnp.int32)
    emb_table = jax.random.normal(k2, (VOCAB, EMBED_DIM), dtype=jnp.float32)
    W1 = jax.random.normal(k3, (EMBED_DIM, HIDDEN), dtype=jnp.float32) * (1.0 / np.sqrt(EMBED_DIM))
    b1 = jax.random.normal(k4, (HIDDEN,), dtype=jnp.float32) * 0.01
    W2 = jax.random.normal(k5, (HIDDEN, VOCAB), dtype=jnp.float32) * (1.0 / np.sqrt(HIDDEN))
    b2 = jax.random.normal(k6, (VOCAB,), dtype=jnp.float32) * 0.01
    return {"inputs": inputs, "emb_table": emb_table, "W1": W1, "b1": b1, "W2": W2, "b2": b2}


def reference(inputs, emb_table, W1, b1, W2, b2):
    # embeds = self.embeddings(inputs)  -> gather
    embeds = jnp.take(emb_table, inputs, axis=0)  # [CONTEXT, EMBED_DIM]
    # embeds = torch.sum(embeds, 0)
    embeds = jnp.sum(embeds, axis=0)  # [EMBED_DIM]
    # out = F.relu(self.linear1(embeds))
    out = jax.nn.relu(embeds @ W1 + b1)  # [HIDDEN]
    # out = self.linear2(out)
    out = out @ W2 + b2  # [VOCAB]
    # log_probs = F.log_softmax(out, dim=0).view(1, vocab_size)
    log_probs = jax.nn.log_softmax(out, axis=0).reshape(1, VOCAB)
    return (log_probs, embeds)

if __name__ == "__main__":
    import jax
    _d = setup_inputs()
    print(jax.jit(kernel)(*tuple(_d.values())))

</pallas_src>

<mosaic_0001>
#map = affine_map<(d0, d1) -> (0)>
#map1 = affine_map<(d0, d1) -> (0, 0)>
module attributes {stable_mosaic.version = 14 : i64} {
  func.func @k(%arg0: i32, %arg1: i32, %arg2: memref<200xi32, #tpu.memory_space<hbm>>, %arg3: memref<100000x64xf32, #tpu.memory_space<hbm>>, %arg4: memref<64xf32, #tpu.memory_space<hbm>>, %arg5: memref<200xi32, #tpu.memory_space<vmem>>, %arg6: memref<200x64xf32, #tpu.memory_space<vmem>>, %arg7: memref<64xf32, #tpu.memory_space<vmem>>, %arg8: memref<!tpu.dma_semaphore, #tpu.memory_space<semaphore_mem>>) attributes {dimension_semantics = [#tpu.dimension_semantics<core_parallel>, #tpu.dimension_semantics<subcore_parallel>], iteration_bounds = array<i64: 2, 16>, scalar_prefetch = 0 : i64, scratch_operands = 4 : i64, tpu.core_type = #tpu.core_type<sc_vector_subcore>, window_params = [{transform_indices = #map}, {transform_indices = #map1}, {transform_indices = #map}]} {
    %mul3A = arith.constant 2 : i32
    %mul3A_0 = arith.muli %arg1, %mul3A : i32
    %add3A = arith.addi %mul3A_0, %arg0 : i32
    %eq3A = arith.constant 0 : i32
    %eq3A_1 = arith.cmpi eq, %add3A, %eq3A : i32
    %convert_element_type3A = arith.extui %eq3A_1 : i1 to i32
    %cond3A = arith.constant 0 : i32
    %cond3A_2 = arith.cmpi ne, %convert_element_type3A, %cond3A : i32
    scf.if %cond3A_2 {
      "tpu.region"() ({
        %run_scoped3A = tpu.sem_alloc : memref<!tpu.dma_semaphore, #tpu.memory_space<semaphore_mem>>
        tpu.enqueue_dma source(%arg2 : memref<200xi32, #tpu.memory_space<hbm>>) target(%arg5 : memref<200xi32, #tpu.memory_space<vmem>>) target_semaphore(%run_scoped3A : memref<!tpu.dma_semaphore, #tpu.memory_space<semaphore_mem>>)
        tpu.wait_dma2 semaphore(%run_scoped3A : memref<!tpu.dma_semaphore, #tpu.memory_space<semaphore_mem>>) src(%arg2 : memref<200xi32, #tpu.memory_space<hbm>>) dst(%arg5 : memref<200xi32, #tpu.memory_space<vmem>>)
        tpu.yield
      }) : () -> ()
      %dma_start3A = arith.constant 0 : i32
      %dma_start3A_3 = arith.constant 0 : i32
      %dma_start3A_4 = tpu.memref_slice %arg3[%dma_start3A, %dma_start3A_3] : memref<100000x64xf32, #tpu.memory_space<hbm>> -> memref<100000x64xf32, #tpu.memory_space<hbm>>
      tpu.enqueue_indirect_dma source(%dma_start3A_4 : memref<100000x64xf32, #tpu.memory_space<hbm>>) target(%arg6 : memref<200x64xf32, #tpu.memory_space<vmem>>) offsets(%arg5 : memref<200xi32, #tpu.memory_space<vmem>>) semaphore(%arg8 : memref<!tpu.dma_semaphore, #tpu.memory_space<semaphore_mem>>)
      %dma_wait3A = arith.constant 0 : i32
      %dma_wait3A_5 = arith.constant 0 : i32
      %dma_wait3A_6 = tpu.memref_slice %arg3[%dma_wait3A, %dma_wait3A_5] : memref<100000x64xf32, #tpu.memory_space<hbm>> -> memref<100000x64xf32, #tpu.memory_space<hbm>>
      tpu.wait_indirect_dma semaphore(%arg8 : memref<!tpu.dma_semaphore, #tpu.memory_space<semaphore_mem>>) src(%dma_wait3A_6 : memref<100000x64xf32, #tpu.memory_space<hbm>>) dst(%arg6 : memref<200x64xf32, #tpu.memory_space<vmem>>)
      %broadcast_in_dim3A = arith.constant 0.000000e+00 : f32
      %broadcast_in_dim3A_7 = vector.broadcast %broadcast_in_dim3A : f32 to vector<16xf32>
      %scan3A = arith.constant 0 : i32
      %scan3A_8 = arith.constant 200 : i32
      %scan3A_9 = arith.addi %scan3A, %scan3A_8 : i32
      %scan3A_10 = arith.constant 1 : i32
      %scan3A_11:4 = scf.for %scan3A_28 = %scan3A to %scan3A_9 step %scan3A_10 iter_args(%scan3A_29 = %broadcast_in_dim3A_7, %scan3A_30 = %broadcast_in_dim3A_7, %scan3A_31 = %broadcast_in_dim3A_7, %scan3A_32 = %broadcast_in_dim3A_7) -> (vector<16xf32>, vector<16xf32>, vector<16xf32>, vector<16xf32>)  : i32 {
        %get3A = arith.index_cast %scan3A_28 : i32 to index
        %get3A_33 = arith.constant 0 : index
        %get3A_34 = tpu.vector_load %arg6[%get3A, %get3A_33] {strides = array<i32>} : memref<200x64xf32, #tpu.memory_space<vmem>>, vector<1x16xf32>,
        %get3A_35 = vector.shape_cast %get3A_34 : vector<1x16xf32> to vector<16xf32>
        %add3A_36 = arith.addf %scan3A_29, %get3A_35 : vector<16xf32>
        %get3A_37 = arith.index_cast %scan3A_28 : i32 to index
        %get3A_38 = arith.constant 16 : index
        %get3A_39 = tpu.vector_load %arg6[%get3A_37, %get3A_38] {strides = array<i32>} : memref<200x64xf32, #tpu.memory_space<vmem>>, vector<1x16xf32>,
        %get3A_40 = vector.shape_cast %get3A_39 : vector<1x16xf32> to vector<16xf32>
        %add3A_41 = arith.addf %scan3A_30, %get3A_40 : vector<16xf32>
        %get3A_42 = arith.index_cast %scan3A_28 : i32 to index
        %get3A_43 = arith.constant 32 : index
        %get3A_44 = tpu.vector_load %arg6[%get3A_42, %get3A_43] {strides = array<i32>} : memref<200x64xf32, #tpu.memory_space<vmem>>, vector<1x16xf32>,
        %get3A_45 = vector.shape_cast %get3A_44 : vector<1x16xf32> to vector<16xf32>
        %add3A_46 = arith.addf %scan3A_31, %get3A_45 : vector<16xf32>
        %get3A_47 = arith.index_cast %scan3A_28 : i32 to index
        %get3A_48 = arith.constant 48 : index
        %get3A_49 = tpu.vector_load %arg6[%get3A_47, %get3A_48] {strides = array<i32>} : memref<200x64xf32, #tpu.memory_space<vmem>>, vector<1x16xf32>,
        %get3A_50 = vector.shape_cast %get3A_49 : vector<1x16xf32> to vector<16xf32>
        %add3A_51 = arith.addf %scan3A_32, %get3A_50 : vector<16xf32>
        scf.yield %add3A_36, %add3A_41, %add3A_46, %add3A_51 : vector<16xf32>, vector<16xf32>, vector<16xf32>, vector<16xf32>
      }
      %scan3A_12 = arith.constant 200 : i32
      %swap3A = arith.constant 0 : index
      %swap3A_13 = tpu.vector_load %arg7[%swap3A] {strides = array<i32>} : memref<64xf32, #tpu.memory_space<vmem>>, vector<16xf32>,
      %swap3A_14 = vector.shape_cast %swap3A_13 : vector<16xf32> to vector<16xf32>
      %swap3A_15 = vector.shape_cast %scan3A_11#0 : vector<16xf32> to vector<16xf32>
      tpu.vector_store %arg7[%swap3A], %swap3A_15 {strides = array<i32>} : memref<64xf32, #tpu.memory_space<vmem>>, vector<16xf32>,
      %swap3A_16 = arith.constant 16 : index
      %swap3A_17 = tpu.vector_load %arg7[%swap3A_16] {strides = array<i32>} : memref<64xf32, #tpu.memory_space<vmem>>, vector<16xf32>,
      %swap3A_18 = vector.shape_cast %swap3A_17 : vector<16xf32> to vector<16xf32>
      %swap3A_19 = vector.shape_cast %scan3A_11#1 : vector<16xf32> to vector<16xf32>
      tpu.vector_store %arg7[%swap3A_16], %swap3A_19 {strides = array<i32>} : memref<64xf32, #tpu.memory_space<vmem>>, vector<16xf32>,
      %swap3A_20 = arith.constant 32 : index
      %swap3A_21 = tpu.vector_load %arg7[%swap3A_20] {strides = array<i32>} : memref<64xf32, #tpu.memory_space<vmem>>, vector<16xf32>,
      %swap3A_22 = vector.shape_cast %swap3A_21 : vector<16xf32> to vector<16xf32>
      %swap3A_23 = vector.shape_cast %scan3A_11#2 : vector<16xf32> to vector<16xf32>
      tpu.vector_store %arg7[%swap3A_20], %swap3A_23 {strides = array<i32>} : memref<64xf32, #tpu.memory_space<vmem>>, vector<16xf32>,
      %swap3A_24 = arith.constant 48 : index
      %swap3A_25 = tpu.vector_load %arg7[%swap3A_24] {strides = array<i32>} : memref<64xf32, #tpu.memory_space<vmem>>, vector<16xf32>,
      %swap3A_26 = vector.shape_cast %swap3A_25 : vector<16xf32> to vector<16xf32>
      %swap3A_27 = vector.shape_cast %scan3A_11#3 : vector<16xf32> to vector<16xf32>
      tpu.vector_store %arg7[%swap3A_24], %swap3A_27 {strides = array<i32>} : memref<64xf32, #tpu.memory_space<vmem>>, vector<16xf32>,
      "tpu.region"() ({
        %run_scoped3A = tpu.sem_alloc : memref<!tpu.dma_semaphore, #tpu.memory_space<semaphore_mem>>
        tpu.enqueue_dma source(%arg7 : memref<64xf32, #tpu.memory_space<vmem>>) target(%arg4 : memref<64xf32, #tpu.memory_space<hbm>>) target_semaphore(%run_scoped3A : memref<!tpu.dma_semaphore, #tpu.memory_space<semaphore_mem>>)
        tpu.wait_dma2 semaphore(%run_scoped3A : memref<!tpu.dma_semaphore, #tpu.memory_space<semaphore_mem>>) src(%arg7 : memref<64xf32, #tpu.memory_space<vmem>>) dst(%arg4 : memref<64xf32, #tpu.memory_space<hbm>>)
        tpu.yield
      }) : () -> ()
    } else {
    }
    return
  }
}

module attributes {stable_mosaic.version = 14 : i64} {
  func.func @_tc_body(%arg0: memref<1x64xf32, #tpu.memory_space<vmem>>, %arg1: memref<64x128xf32, #tpu.memory_space<vmem>>, %arg2: memref<1x128xf32, #tpu.memory_space<vmem>>, %arg3: memref<1x100000xf32, #tpu.memory_space<vmem>>, %arg4: memref<128x100000xf32, #tpu.memory_space<any>>, %arg5: memref<1x100000xf32, #tpu.memory_space<vmem>>, %arg6: memref<4x128x8192xf32, #tpu.memory_space<vmem>>, %arg7: memref<128x1696xf32, #tpu.memory_space<vmem>>, %arg8: memref<1x106496xf32, #tpu.memory_space<vmem>>, %arg9: memref<4x!tpu.dma_semaphore, #tpu.memory_space<semaphore_mem>>, %arg10: memref<!tpu.dma_semaphore, #tpu.memory_space<semaphore_mem>>) attributes {dimension_semantics = [], scalar_prefetch = 0 : i64, scratch_operands = 5 : i64, tpu.core_type = #tpu.core_type<tc>} {
    %get3A = arith.constant 0 : index
    %get3A_0 = arith.constant 0 : index
    %get3A_1 = vector.load %arg0[%get3A, %get3A_0] : memref<1x64xf32, #tpu.memory_space<vmem>>, vector<1x64xf32>
    %get3A_2 = arith.constant 0 : index
    %get3A_3 = arith.constant 0 : index
    %get3A_4 = vector.load %arg1[%get3A_2, %get3A_3] : memref<64x128xf32, #tpu.memory_space<vmem>>, vector<64x128xf32>
    %dot_general3A = arith.constant dense<0.000000e+00> : vector<1x128xf32>
    %dot_general3A_5 = tpu.matmul %get3A_1, %get3A_4, %dot_general3A {dimension_numbers = #tpu.dot_dimension_numbers<[1], [0], [0], [1], [0, 0, 1, 1], [], []>, transpose_lhs_hint = false} : vector<1x64xf32>, vector<64x128xf32>, vector<1x128xf32> -> vector<1x128xf32>
    %get3A_6 = arith.constant 0 : index
    %get3A_7 = arith.constant 0 : index
    %get3A_8 = vector.load %arg2[%get3A_6, %get3A_7] : memref<1x128xf32, #tpu.memory_space<vmem>>, vector<1x128xf32>
    %add3A = arith.addf %dot_general3A_5, %get3A_8 : vector<1x128xf32>
    %max3A = arith.constant 0.000000e+00 : f32
    %max3A_9 = vector.broadcast %max3A : f32 to vector<1x128xf32>
    %max3A_10 = arith.maximumf %add3A, %max3A_9 : vector<1x128xf32>
    %dma_start3A = arith.constant 0 : i32
    %dma_start3A_11 = arith.constant 0 : i32
    %dma_start3A_12 = tpu.memref_slice %arg9[%dma_start3A_11] : memref<4x!tpu.dma_semaphore, #tpu.memory_space<semaphore_mem>> -> memref<1x!tpu.dma_semaphore, #tpu.memory_space<semaphore_mem>>
    %dma_start3A_13 = tpu.memref_squeeze %dma_start3A_12 : memref<1x!tpu.dma_semaphore, #tpu.memory_space<semaphore_mem>> -> memref<!tpu.dma_semaphore, #tpu.memory_space<semaphore_mem>>
    %dma_start3A_14 = arith.constant 0 : i32
    %dma_start3A_15 = arith.constant 0 : i32
    %dma_start3A_16 = tpu.memref_slice %arg6[%dma_start3A, %dma_start3A_14, %dma_start3A_15] : memref<4x128x8192xf32, #tpu.memory_space<vmem>> -> memref<1x128x8192xf32, #tpu.memory_space<vmem>>
    %dma_start3A_17 = tpu.memref_squeeze %dma_start3A_16 : memref<1x128x8192xf32, #tpu.memory_space<vmem>> -> memref<128x8192xf32, #tpu.memory_space<vmem>>
    %dma_start3A_18 = arith.constant 0 : i32
    %dma_start3A_19 = arith.constant 0 : i32
    %dma_start3A_20 = tpu.memref_slice %arg4[%dma_start3A_18, %dma_start3A_19] : memref<128x100000xf32, #tpu.memory_space<any>> -> memref<128x8192xf32, #tpu.memory_space<any>>
    tpu.enqueue_dma source(%dma_start3A_20 : memref<128x8192xf32, #tpu.memory_space<any>>) target(%dma_start3A_17 : memref<128x8192xf32, #tpu.memory_space<vmem>>) target_semaphore(%dma_start3A_13 : memref<!tpu.dma_semaphore, #tpu.memory_space<semaphore_mem>>)
    %dma_start3A_21 = arith.constant 1 : i32
    %dma_start3A_22 = arith.constant 1 : i32
    %dma_start3A_23 = tpu.memref_slice %arg9[%dma_start3A_22] : memref<4x!tpu.dma_semaphore, #tpu.memory_space<semaphore_mem>> -> memref<1x!tpu.dma_semaphore, #tpu.memory_space<semaphore_mem>>
    %dma_start3A_24 = tpu.memref_squeeze %dma_start3A_23 : memref<1x!tpu.dma_semaphore, #tpu.memory_space<semaphore_mem>> -> memref<!tpu.dma_semaphore, #tpu.memory_space<semaphore_mem>>
    %dma_start3A_25 = arith.constant 0 : i32
    %dma_start3A_26 = arith.constant 0 : i32
    %dma_start3A_27 = tpu.memref_slice %arg6[%dma_start3A_21, %dma_start3A_25, %dma_start3A_26] : memref<4x128x8192xf32, #tpu.memory_space<vmem>> -> memref<1x128x8192xf32, #tpu.memory_space<vmem>>
    %dma_start3A_28 = tpu.memref_squeeze %dma_start3A_27 : memref<1x128x8192xf32, #tpu.memory_space<vmem>> -> memref<128x8192xf32, #tpu.memory_space<vmem>>
    %dma_start3A_29 = arith.constant 0 : i32
    %dma_start3A_30 = arith.constant 8192 : i32
    %dma_start3A_31 = tpu.memref_slice %arg4[%dma_start3A_29, %dma_start3A_30] : memref<128x100000xf32, #tpu.memory_space<any>> -> memref<128x8192xf32, #tpu.memory_space<any>>
    tpu.enqueue_dma source(%dma_start3A_31 : memref<128x8192xf32, #tpu.memory_space<any>>) target(%dma_start3A_28 : memref<128x8192xf32, #tpu.memory_space<vmem>>) target_semaphore(%dma_start3A_24 : memref<!tpu.dma_semaphore, #tpu.memory_space<semaphore_mem>>)
    %dma_start3A_32 = arith.constant 2 : i32
    %dma_start3A_33 = arith.constant 2 : i32
    %dma_start3A_34 = tpu.memref_slice %arg9[%dma_start3A_33] : memref<4x!tpu.dma_semaphore, #tpu.memory_space<semaphore_mem>> -> memref<1x!tpu.dma_semaphore, #tpu.memory_space<semaphore_mem>>
    %dma_start3A_35 = tpu.memref_squeeze %dma_start3A_34 : memref<1x!tpu.dma_semaphore, #tpu.memory_space<semaphore_mem>> -> memref<!tpu.dma_semaphore, #tpu.memory_space<semaphore_mem>>
    %dma_start3A_36 = arith.constant 0 : i32
    %dma_start3A_37 = arith.constant 0 : i32
    %dma_start3A_38 = tpu.memref_slice %arg6[%dma_start3A_32, %dma_start3A_36, %dma_start3A_37] : memref<4x128x8192xf32, #tpu.memory_space<vmem>> -> memref<1x128x8192xf32, #tpu.memory_space<vmem>>
    %dma_start3A_39 = tpu.memref_squeeze %dma_start3A_38 : memref<1x128x8192xf32, #tpu.memory_space<vmem>> -> memref<128x8192xf32, #tpu.memory_space<vmem>>
    %dma_start3A_40 = arith.constant 0 : i32
    %dma_start3A_41 = arith.constant 16384 : i32
    %dma_start3A_42 = tpu.memref_slice %arg4[%dma_start3A_40, %dma_start3A_41] : memref<128x100000xf32, #tpu.memory_space<any>> -> memref<128x8192xf32, #tpu.memory_space<any>>
    tpu.enqueue_dma source(%dma_start3A_42 : memref<128x8192xf32, #tpu.memory_space<any>>) target(%dma_start3A_39 : memref<128x8192xf32, #tpu.memory_space<vmem>>) target_semaphore(%dma_start3A_35 : memref<!tpu.dma_semaphore, #tpu.memory_space<semaphore_mem>>)
    %dma_start3A_43 = arith.constant 3 : i32
    %dma_start3A_44 = arith.constant 3 : i32
    %dma_start3A_45 = tpu.memref_slice %arg9[%dma_start3A_44] : memref<4x!tpu.dma_semaphore, #tpu.memory_space<semaphore_mem>> -> memref<1x!tpu.dma_semaphore, #tpu.memory_space<semaphore_mem>>
    %dma_start3A_46 = tpu.memref_squeeze %dma_start3A_45 : memref<1x!tpu.dma_semaphore, #tpu.memory_space<semaphore_mem>> -> memref<!tpu.dma_semaphore, #tpu.memory_space<semaphore_mem>>
    %dma_start3A_47 = arith.constant 0 : i32
    %dma_start3A_48 = arith.constant 0 : i32
    %dma_start3A_49 = tpu.memref_slice %arg6[%dma_start3A_43, %dma_start3A_47, %dma_start3A_48] : memref<4x128x8192xf32, #tpu.memory_space<vmem>> -> memref<1x128x8192xf32, #tpu.memory_space<vmem>>
    %dma_start3A_50 = tpu.memref_squeeze %dma_start3A_49 : memref<1x128x8192xf32, #tpu.memory_space<vmem>> -> memref<128x8192xf32, #tpu.memory_space<vmem>>
    %dma_start3A_51 = arith.constant 0 : i32
    %dma_start3A_52 = arith.constant 24576 : i32
    %dma_start3A_53 = tpu.memref_slice %arg4[%dma_start3A_51, %dma_start3A_52] : memref<128x100000xf32, #tpu.memory_space<any>> -> memref<128x8192xf32, #tpu.memory_space<any>>
    tpu.enqueue_dma source(%dma_start3A_53 : memref<128x8192xf32, #tpu.memory_space<any>>) target(%dma_start3A_50 : memref<128x8192xf32, #tpu.memory_space<vmem>>) target_semaphore(%dma_start3A_46 : memref<!tpu.dma_semaphore, #tpu.memory_space<semaphore_mem>>)
    %dma_start3A_54 = arith.constant 0 : i32
    %dma_start3A_55 = arith.constant 98304 : i32
    %dma_start3A_56 = tpu.memref_slice %arg4[%dma_start3A_54, %dma_start3A_55] : memref<128x100000xf32, #tpu.memory_space<any>> -> memref<128x1696xf32, #tpu.memory_space<any>>
    tpu.enqueue_dma source(%dma_start3A_56 : memref<128x1696xf32, #tpu.memory_space<any>>) target(%arg7 : memref<128x1696xf32, #tpu.memory_space<vmem>>) target_semaphore(%arg10 : memref<!tpu.dma_semaphore, #tpu.memory_space<semaphore_mem>>)
    %dma_wait3A = arith.constant 0 : i32
    %dma_wait3A_57 = arith.constant 0 : i32
    %dma_wait3A_58 = tpu.memref_slice %arg9[%dma_wait3A_57] : memref<4x!tpu.dma_semaphore, #tpu.memory_space<semaphore_mem>> -> memref<1x!tpu.dma_semaphore, #tpu.memory_space<semaphore_mem>>
    %dma_wait3A_59 = tpu.memref_squeeze %dma_wait3A_58 : memref<1x!tpu.dma_semaphore, #tpu.memory_space<semaphore_mem>> -> memref<!tpu.dma_semaphore, #tpu.memory_space<semaphore_mem>>
    %dma_wait3A_60 = arith.constant 0 : i32
    %dma_wait3A_61 = arith.constant 0 : i32
    %dma_wait3A_62 = tpu.memref_slice %arg6[%dma_wait3A, %dma_wait3A_60, %dma_wait3A_61] : memref<4x128x8192xf32, #tpu.memory_space<vmem>> -> memref<1x128x8192xf32, #tpu.memory_space<vmem>>
    %dma_wait3A_63 = tpu.memref_squeeze %dma_wait3A_62 : memref<1x128x8192xf32, #tpu.memory_space<vmem>> -> memref<128x8192xf32, #tpu.memory_space<vmem>>
    %dma_wait3A_64 = arith.constant 0 : i32
    %dma_wait3A_65 = arith.constant 0 : i32
    %dma_wait3A_66 = tpu.memref_slice %arg4[%dma_wait3A_64, %dma_wait3A_65] : memref<128x100000xf32, #tpu.memory_space<any>> -> memref<128x8192xf32, #tpu.memory_space<any>>
    tpu.wait_dma2 semaphore(%dma_wait3A_59 : memref<!tpu.dma_semaphore, #tpu.memory_space<semaphore_mem>>) src(%dma_wait3A_66 : memref<128x8192xf32, #tpu.memory_space<any>>) dst(%dma_wait3A_63 : memref<128x8192xf32, #tpu.memory_space<vmem>>)
    %get3A_67 = arith.constant 0 : index
    %get3A_68 = arith.constant 0 : index
    %get3A_69 = arith.constant 0 : index
    %get3A_70 = vector.load %arg6[%get3A_67, %get3A_68, %get3A_69] : memref<4x128x8192xf32, #tpu.memory_space<vmem>>, vector<1x128x8192xf32>
    %get3A_71 = vector.shape_cast %get3A_70 : vector<1x128x8192xf32> to vector<128x8192xf32>
    %dot_general3A_72 = arith.constant dense<0.000000e+00> : vector<1x8192xf32>
    %dot_general3A_73 = tpu.matmul %max3A_10, %get3A_71, %dot_general3A_72 {dimension_numbers = #tpu.dot_dimension_numbers<[1], [0], [0], [1], [0, 0, 1, 1], [], []>, transpose_lhs_hint = false} : vector<1x128xf32>, vector<128x8192xf32>, vector<1x8192xf32> -> vector<1x8192xf32>
    %get3A_74 = arith.constant 0 : index
    %get3A_75 = arith.constant 0 : index
    %get3A_76 = vector.load %arg3[%get3A_74, %get3A_75] : memref<1x100000xf32, #tpu.memory_space<vmem>>, vector<1x8192xf32>
    %add3A_77 = arith.addf %dot_general3A_73, %get3A_76 : vector<1x8192xf32>
    %swap3A = arith.constant 0 : index
    %swap3A_78 = arith.constant 0 : index
    %swap3A_79 = vector.load %arg8[%swap3A, %swap3A_78] : memref<1x106496xf32, #tpu.memory_space<vmem>>, vector<1x8192xf32>
    tpu.vector_store %arg8[%swap3A, %swap3A_78], %add3A_77 {strides = array<i32>} : memref<1x106496xf32, #tpu.memory_space<vmem>>, vector<1x8192xf32>,
    %dma_start3A_80 = arith.constant 0 : i32
    %dma_start3A_81 = arith.constant 0 : i32
    %dma_start3A_82 = tpu.memref_slice %arg9[%dma_start3A_81] : memref<4x!tpu.dma_semaphore, #tpu.memory_space<semaphore_mem>> -> memref<1x!tpu.dma_semaphore, #tpu.memory_space<semaphore_mem>>
    %dma_start3A_83 = tpu.memref_squeeze %dma_start3A_82 : memref<1x!tpu.dma_semaphore, #tpu.memory_space<semaphore_mem>> -> memref<!tpu.dma_semaphore, #tpu.memory_space<semaphore_mem>>
    %dma_start3A_84 = arith.constant 0 : i32
    %dma_start3A_85 = arith.constant 0 : i32
    %dma_start3A_86 = tpu.memref_slice %arg6[%dma_start3A_80, %dma_start3A_84, %dma_start3A_85] : memref<4x128x8192xf32, #tpu.memory_space<vmem>> -> memref<1x128x8192xf32, #tpu.memory_space<vmem>>
    %dma_start3A_87 = tpu.memref_squeeze %dma_start3A_86 : memref<1x128x8192xf32, #tpu.memory_space<vmem>> -> memref<128x8192xf32, #tpu.memory_space<vmem>>
    %dma_start3A_88 = arith.constant 0 : i32
    %dma_start3A_89 = arith.constant 32768 : i32
    %dma_start3A_90 = tpu.memref_slice %arg4[%dma_start3A_88, %dma_start3A_89] : memref<128x100000xf32, #tpu.memory_space<any>> -> memref<128x8192xf32, #tpu.memory_space<any>>
    tpu.enqueue_dma source(%dma_start3A_90 : memref<128x8192xf32, #tpu.memory_space<any>>) target(%dma_start3A_87 : memref<128x8192xf32, #tpu.memory_space<vmem>>) target_semaphore(%dma_start3A_83 : memref<!tpu.dma_semaphore, #tpu.memory_space<semaphore_mem>>)
    %dma_wait3A_91 = arith.constant 1 : i32
    %dma_wait3A_92 = arith.constant 1 : i32
    %dma_wait3A_93 = tpu.memref_slice %arg9[%dma_wait3A_92] : memref<4x!tpu.dma_semaphore, #tpu.memory_space<semaphore_mem>> -> memref<1x!tpu.dma_semaphore, #tpu.memory_space<semaphore_mem>>
    %dma_wait3A_94 = tpu.memref_squeeze %dma_wait3A_93 : memref<1x!tpu.dma_semaphore, #tpu.memory_space<semaphore_mem>> -> memref<!tpu.dma_semaphore, #tpu.memory_space<semaphore_mem>>
    %dma_wait3A_95 = arith.constant 0 : i32
    %dma_wait3A_96 = arith.constant 0 : i32
    %dma_wait3A_97 = tpu.memref_slice %arg6[%dma_wait3A_91, %dma_wait3A_95, %dma_wait3A_96] : memref<4x128x8192xf32, #tpu.memory_space<vmem>> -> memref<1x128x8192xf32, #tpu.memory_space<vmem>>
    %dma_wait3A_98 = tpu.memref_squeeze %dma_wait3A_97 : memref<1x128x8192xf32, #tpu.memory_space<vmem>> -> memref<128x8192xf32, #tpu.memory_space<vmem>>
    %dma_wait3A_99 = arith.constant 0 : i32
    %dma_wait3A_100 = arith.constant 8192 : i32
    %dma_wait3A_101 = tpu.memref_slice %arg4[%dma_wait3A_99, %dma_wait3A_100] : memref<128x100000xf32, #tpu.memory_space<any>> -> memref<128x8192xf32, #tpu.memory_space<any>>
    tpu.wait_dma2 semaphore(%dma_wait3A_94 : memref<!tpu.dma_semaphore, #tpu.memory_space<semaphore_mem>>) src(%dma_wait3A_101 : memref<128x8192xf32, #tpu.memory_space<any>>) dst(%dma_wait3A_98 : memref<128x8192xf32, #tpu.memory_space<vmem>>)
    %get3A_102 = arith.constant 1 : index
    %get3A_103 = arith.constant 0 : index
    %get3A_104 = arith.constant 0 : index
    %get3A_105 = vector.load %arg6[%get3A_102, %get3A_103, %get3A_104] : memref<4x128x8192xf32, #tpu.memory_space<vmem>>, vector<1x128x8192xf32>
    %get3A_106 = vector.shape_cast %get3A_105 : vector<1x128x8192xf32> to vector<128x8192xf32>
    %dot_general3A_107 = arith.constant dense<0.000000e+00> : vector<1x8192xf32>
    %dot_general3A_108 = tpu.matmul %max3A_10, %get3A_106, %dot_general3A_107 {dimension_numbers = #tpu.dot_dimension_numbers<[1], [0], [0], [1], [0, 0, 1, 1], [], []>, transpose_lhs_hint = false} : vector<1x128xf32>, vector<128x8192xf32>, vector<1x8192xf32> -> vector<1x8192xf32>
    %get3A_109 = arith.constant 0 : index
    %get3A_110 = arith.constant 8192 : index
    %get3A_111 = vector.load %arg3[%get3A_109, %get3A_110] : memref<1x100000xf32, #tpu.memory_space<vmem>>, vector<1x8192xf32>
    %add3A_112 = arith.addf %dot_general3A_108, %get3A_111 : vector<1x8192xf32>
    %swap3A_113 = arith.constant 0 : index
    %swap3A_114 = arith.constant 8192 : index
    %swap3A_115 = vector.load %arg8[%swap3A_113, %swap3A_114] : memref<1x106496xf32, #tpu.memory_space<vmem>>, vector<1x8192xf32>
    tpu.vector_store %arg8[%swap3A_113, %swap3A_114], %add3A_112 {strides = array<i32>} : memref<1x106496xf32, #tpu.memory_space<vmem>>, vector<1x8192xf32>,
    %dma_start3A_116 = arith.constant 1 : i32
    %dma_start3A_117 = arith.constant 1 : i32
    %dma_start3A_118 = tpu.memref_slice %arg9[%dma_start3A_117] : memref<4x!tpu.dma_semaphore, #tpu.memory_space<semaphore_mem>> -> memref<1x!tpu.dma_semaphore, #tpu.memory_space<semaphore_mem>>
    %dma_start3A_119 = tpu.memref_squeeze %dma_start3A_118 : memref<1x!tpu.dma_semaphore, #tpu.memory_space<semaphore_mem>> -> memref<!tpu.dma_semaphore, #tpu.memory_space<semaphore_mem>>
    %dma_start3A_120 = arith.constant 0 : i32
    %dma_start3A_121 = arith.constant 0 : i32
    %dma_start3A_122 = tpu.memref_slice %arg6[%dma_start3A_116, %dma_start3A_120, %dma_start3A_121] : memref<4x128x8192xf32, #tpu.memory_space<vmem>> -> memref<1x128x8192xf32, #tpu.memory_space<vmem>>
    %dma_start3A_123 = tpu.memref_squeeze %dma_start3A_122 : memref<1x128x8192xf32, #tpu.memory_space<vmem>> -> memref<128x8192xf32, #tpu.memory_space<vmem>>
    %dma_start3A_124 = arith.constant 0 : i32
    %dma_start3A_125 = arith.constant 40960 : i32
    %dma_start3A_126 = tpu.memref_slice %arg4[%dma_start3A_124, %dma_start3A_125] : memref<128x100000xf32, #tpu.memory_space<any>> -> memref<128x8192xf32, #tpu.memory_space<any>>
    tpu.enqueue_dma source(%dma_start3A_126 : memref<128x8192xf32, #tpu.memory_space<any>>) target(%dma_start3A_123 : memref<128x8192xf32, #tpu.memory_space<vmem>>) target_semaphore(%dma_start3A_119 : memref<!tpu.dma_semaphore, #tpu.memory_space<semaphore_mem>>)
    %dma_wait3A_127 = arith.constant 2 : i32
    %dma_wait3A_128 = arith.constant 2 : i32
    %dma_wait3A_129 = tpu.memref_slice %arg9[%dma_wait3A_128] : memref<4x!tpu.dma_semaphore, #tpu.memory_space<semaphore_mem>> -> memref<1x!tpu.dma_semaphore, #tpu.memory_space<semaphore_mem>>
    %dma_wait3A_130 = tpu.memref_squeeze %dma_wait3A_129 : memref<1x!tpu.dma_semaphore, #tpu.memory_space<semaphore_mem>> -> memref<!tpu.dma_semaphore, #tpu.memory_space<semaphore_mem>>
    %dma_wait3A_131 = arith.constant 0 : i32
    %dma_wait3A_132 = arith.constant 0 : i32
    %dma_wait3A_133 = tpu.memref_slice %arg6[%dma_wait3A_127, %dma_wait3A_131, %dma_wait3A_132] : memref<4x128x8192xf32, #tpu.memory_space<vmem>> -> memref<1x128x8192xf32, #tpu.memory_space<vmem>>
    %dma_wait3A_134 = tpu.memref_squeeze %dma_wait3A_133 : memref<1x128x8192xf32, #tpu.memory_space<vmem>> -> memref<128x8192xf32, #tpu.memory_space<vmem>>
    %dma_wait3A_135 = arith.constant 0 : i32
    %dma_wait3A_136 = arith.constant 16384 : i32
    %dma_wait3A_137 = tpu.memref_slice %arg4[%dma_wait3A_135, %dma_wait3A_136] : memref<128x100000xf32, #tpu.memory_space<any>> -> memref<128x8192xf32, #tpu.memory_space<any>>
    tpu.wait_dma2 semaphore(%dma_wait3A_130 : memref<!tpu.dma_semaphore, #tpu.memory_space<semaphore_mem>>) src(%dma_wait3A_137 : memref<128x8192xf32, #tpu.memory_space<any>>) dst(%dma_wait3A_134 : memref<128x8192xf32, #tpu.memory_space<vmem>>)
    %get3A_138 = arith.constant 2 : index
    %get3A_139 = arith.constant 0 : index
    %get3A_140 = arith.constant 0 : index
    %get3A_141 = vector.load %arg6[%get3A_138, %get3A_139, %get3A_140] : memref<4x128x8192xf32, #tpu.memory_space<vmem>>, vector<1x128x8192xf32>
    %get3A_142 = vector.shape_cast %get3A_141 : vector<1x128x8192xf32> to vector<128x8192xf32>
    %dot_general3A_143 = arith.constant dense<0.000000e+00> : vector<1x8192xf32>
    %dot_general3A_144 = tpu.matmul %max3A_10, %get3A_142, %dot_general3A_143 {dimension_numbers = #tpu.dot_dimension_numbers<[1], [0], [0], [1], [0, 0, 1, 1], [], []>, transpose_lhs_hint = false} : vector<1x128xf32>, vector<128x8192xf32>, vector<1x8192xf32> -> vector<1x8192xf32>
    %get3A_145 = arith.constant 0 : index
    %get3A_146 = arith.constant 16384 : index
    %get3A_147 = vector.load %arg3[%get3A_145, %get3A_146] : memref<1x100000xf32, #tpu.memory_space<vmem>>, vector<1x8192xf32>
    %add3A_148 = arith.addf %dot_general3A_144, %get3A_147 : vector<1x8192xf32>
    %swap3A_149 = arith.constant 0 : index
    %swap3A_150 = arith.constant 16384 : index
    %swap3A_151 = vector.load %arg8[%swap3A_149, %swap3A_150] : memref<1x106496xf32, #tpu.memory_space<vmem>>, vector<1x8192xf32>
    tpu.vector_store %arg8[%swap3A_149, %swap3A_150], %add3A_148 {strides = array<i32>} : memref<1x106496xf32, #tpu.memory_space<vmem>>, vector<1x8192xf32>,
    %dma_start3A_152 = arith.constant 2 : i32
    %dma_start3A_153 = arith.constant 2 : i32
    %dma_start3A_154 = tpu.memref_slice %arg9[%dma_start3A_153] : memref<4x!tpu.dma_semaphore, #tpu.memory_space<semaphore_mem>> -> memref<1x!tpu.dma_semaphore, #tpu.memory_space<semaphore_mem>>
    %dma_start3A_155 = tpu.memref_squeeze %dma_start3A_154 : memref<1x!tpu.dma_semaphore, #tpu.memory_space<semaphore_mem>> -> memref<!tpu.dma_semaphore, #tpu.memory_space<semaphore_mem>>
    %dma_start3A_156 = arith.constant 0 : i32
    %dma_start3A_157 = arith.constant 0 : i32
    %dma_start3A_158 = tpu.memref_slice %arg6[%dma_start3A_152, %dma_start3A_156, %dma_start3A_157] : memref<4x128x8192xf32, #tpu.memory_space<vmem>> -> memref<1x128x8192xf32, #tpu.memory_space<vmem>>
    %dma_start3A_159 = tpu.memref_squeeze %dma_start3A_158 : memref<1x128x8192xf32, #tpu.memory_space<vmem>> -> memref<128x8192xf32, #tpu.memory_space<vmem>>
    %dma_start3A_160 = arith.constant 0 : i32
    %dma_start3A_161 = arith.constant 49152 : i32
    %dma_start3A_162 = tpu.memref_slice %arg4[%dma_start3A_160, %dma_start3A_161] : memref<128x100000xf32, #tpu.memory_space<any>> -> memref<128x8192xf32, #tpu.memory_space<any>>
    tpu.enqueue_dma source(%dma_start3A_162 : memref<128x8192xf32, #tpu.memory_space<any>>) target(%dma_start3A_159 : memref<128x8192xf32, #tpu.memory_space<vmem>>) target_semaphore(%dma_start3A_155 : memref<!tpu.dma_semaphore, #tpu.memory_space<semaphore_mem>>)
    %dma_wait3A_163 = arith.constant 3 : i32
    %dma_wait3A_164 = arith.constant 3 : i32
    %dma_wait3A_165 = tpu.memref_slice %arg9[%dma_wait3A_164] : memref<4x!tpu.dma_semaphore, #tpu.memory_space<semaphore_mem>> -> memref<1x!tpu.dma_semaphore, #tpu.memory_space<semaphore_mem>>
    %dma_wait3A_166 = tpu.memref_squeeze %dma_wait3A_165 : memref<1x!tpu.dma_semaphore, #tpu.memory_space<semaphore_mem>> -> memref<!tpu.dma_semaphore, #tpu.memory_space<semaphore_mem>>
    %dma_wait3A_167 = arith.constant 0 : i32
    %dma_wait3A_168 = arith.constant 0 : i32
    %dma_wait3A_169 = tpu.memref_slice %arg6[%dma_wait3A_163, %dma_wait3A_167, %dma_wait3A_168] : memref<4x128x8192xf32, #tpu.memory_space<vmem>> -> memref<1x128x8192xf32, #tpu.memory_space<vmem>>
    %dma_wait3A_170 = tpu.memref_squeeze %dma_wait3A_169 : memref<1x128x8192xf32, #tpu.memory_space<vmem>> -> memref<128x8192xf32, #tpu.memory_space<vmem>>
    %dma_wait3A_171 = arith.constant 0 : i32
    %dma_wait3A_172 = arith.constant 24576 : i32
    %dma_wait3A_173 = tpu.memref_slice %arg4[%dma_wait3A_171, %dma_wait3A_172] : memref<128x100000xf32, #tpu.memory_space<any>> -> memref<128x8192xf32, #tpu.memory_space<any>>
    tpu.wait_dma2 semaphore(%dma_wait3A_166 : memref<!tpu.dma_semaphore, #tpu.memory_space<semaphore_mem>>) src(%dma_wait3A_173 : memref<128x8192xf32, #tpu.memory_space<any>>) dst(%dma_wait3A_170 : memref<128x8192xf32, #tpu.memory_space<vmem>>)
    %get3A_174 = arith.constant 3 : index
    %get3A_175 = arith.constant 0 : index
    %get3A_176 = arith.constant 0 : index
    %get3A_177 = vector.load %arg6[%get3A_174, %get3A_175, %get3A_176] : memref<4x128x8192xf32, #tpu.memory_space<vmem>>, vector<1x128x8192xf32>
    %get3A_178 = vector.shape_cast %get3A_177 : vector<1x128x8192xf32> to vector<128x8192xf32>
    %dot_general3A_179 = arith.constant dense<0.000000e+00> : vector<1x8192xf32>
    %dot_general3A_180 = tpu.matmul %max3A_10, %get3A_178, %dot_general3A_179 {dimension_numbers = #tpu.dot_dimension_numbers<[1], [0], [0], [1], [0, 0, 1, 1], [], []>, transpose_lhs_hint = false} : vector<1x128xf32>, vector<128x8192xf32>, vector<1x8192xf32> -> vector<1x8192xf32>
    %get3A_181 = arith.constant 0 : index
    %get3A_182 = arith.constant 24576 : index
    %get3A_183 = vector.load %arg3[%get3A_181, %get3A_182] : memref<1x100000xf32, #tpu.memory_space<vmem>>, vector<1x8192xf32>
    %add3A_184 = arith.addf %dot_general3A_180, %get3A_183 : vector<1x8192xf32>
    %swap3A_185 = arith.constant 0 : index
    %swap3A_186 = arith.constant 24576 : index
    %swap3A_187 = vector.load %arg8[%swap3A_185, %swap3A_186] : memref<1x106496xf32, #tpu.memory_space<vmem>>, vector<1x8192xf32>
    tpu.vector_store %arg8[%swap3A_185, %swap3A_186], %add3A_184 {strides = array<i32>} : memref<1x106496xf32, #tpu.memory_space<vmem>>, vector<1x8192xf32>,
    %dma_start3A_188 = arith.constant 3 : i32
    %dma_start3A_189 = arith.constant 3 : i32
    %dma_start3A_190 = tpu.memref_slice %arg9[%dma_start3A_189] : memref<4x!tpu.dma_semaphore, #tpu.memory_space<semaphore_mem>> -> memref<1x!tpu.dma_semaphore, #tpu.memory_space<semaphore_mem>>
    %dma_start3A_191 = tpu.memref_squeeze %dma_start3A_190 : memref<1x!tpu.dma_semaphore, #tpu.memory_space<semaphore_mem>> -> memref<!tpu.dma_semaphore, #tpu.memory_space<semaphore_mem>>
    %dma_start3A_192 = arith.constant 0 : i32
    %dma_start3A_193 = arith.constant 0 : i32
    %dma_start3A_194 = tpu.memref_slice %arg6[%dma_start3A_188, %dma_start3A_192, %dma_start3A_193] : memref<4x128x8192xf32, #tpu.memory_space<vmem>> -> memref<1x128x8192xf32, #tpu.memory_space<vmem>>
    %dma_start3A_195 = tpu.memref_squeeze %dma_start3A_194 : memref<1x128x8192xf32, #tpu.memory_space<vmem>> -> memref<128x8192xf32, #tpu.memory_space<vmem>>
    %dma_start3A_196 = arith.constant 0 : i32
    %dma_start3A_197 = arith.constant 57344 : i32
    %dma_start3A_198 = tpu.memref_slice %arg4[%dma_start3A_196, %dma_start3A_197] : memref<128x100000xf32, #tpu.memory_space<any>> -> memref<128x8192xf32, #tpu.memory_space<any>>
    tpu.enqueue_dma source(%dma_start3A_198 : memref<128x8192xf32, #tpu.memory_space<any>>) target(%dma_start3A_195 : memref<128x8192xf32, #tpu.memory_space<vmem>>) target_semaphore(%dma_start3A_191 : memref<!tpu.dma_semaphore, #tpu.memory_space<semaphore_mem>>)
    %dma_wait3A_199 = arith.constant 0 : i32
    %dma_wait3A_200 = arith.constant 0 : i32
    %dma_wait3A_201 = tpu.memref_slice %arg9[%dma_wait3A_200] : memref<4x!tpu.dma_semaphore, #tpu.memory_space<semaphore_mem>> -> memref<1x!tpu.dma_semaphore, #tpu.memory_space<semaphore_mem>>
    %dma_wait3A_202 = tpu.memref_squeeze %dma_wait3A_201 : memref<1x!tpu.dma_semaphore, #tpu.memory_space<semaphore_mem>> -> memref<!tpu.dma_semaphore, #tpu.memory_space<semaphore_mem>>
    %dma_wait3A_203 = arith.constant 0 : i32
    %dma_wait3A_204 = arith.constant 0 : i32
    %dma_wait3A_205 = tpu.memref_slice %arg6[%dma_wait3A_199, %dma_wait3A_203, %dma_wait3A_204] : memref<4x128x8192xf32, #tpu.memory_space<vmem>> -> memref<1x128x8192xf32, #tpu.memory_space<vmem>>
    %dma_wait3A_206 = tpu.memref_squeeze %dma_wait3A_205 : memref<1x128x8192xf32, #tpu.memory_space<vmem>> -> memref<128x8192xf32, #tpu.memory_space<vmem>>
    %dma_wait3A_207 = arith.constant 0 : i32
    %dma_wait3A_208 = arith.constant 32768 : i32
    %dma_wait3A_209 = tpu.memref_slice %arg4[%dma_wait3A_207, %dma_wait3A_208] : memref<128x100000xf32, #tpu.memory_space<any>> -> memref<128x8192xf32, #tpu.memory_space<any>>
    tpu.wait_dma2 semaphore(%dma_wait3A_202 : memref<!tpu.dma_semaphore, #tpu.memory_space<semaphore_mem>>) src(%dma_wait3A_209 : memref<128x8192xf32, #tpu.memory_space<any>>) dst(%dma_wait3A_206 : memref<128x8192xf32, #tpu.memory_space<vmem>>)
    %get3A_210 = arith.constant 0 : index
    %get3A_211 = arith.constant 0 : index
    %get3A_212 = arith.constant 0 : index
    %get3A_213 = vector.load %arg6[%get3A_210, %get3A_211, %get3A_212] : memref<4x128x8192xf32, #tpu.memory_space<vmem>>, vector<1x128x8192xf32>
    %get3A_214 = vector.shape_cast %get3A_213 : vector<1x128x8192xf32> to vector<128x8192xf32>
    %dot_general3A_215 = arith.constant dense<0.000000e+00> : vector<1x8192xf32>
    %dot_general3A_216 = tpu.matmul %max3A_10, %get3A_214, %dot_general3A_215 {dimension_numbers = #tpu.dot_dimension_numbers<[1], [0], [0], [1], [0, 0, 1, 1], [], []>, transpose_lhs_hint = false} : vector<1x128xf32>, vector<128x8192xf32>, vector<1x8192xf32> -> vector<1x8192xf32>
    %get3A_217 = arith.constant 0 : index
    %get3A_218 = arith.constant 32768 : index
    %get3A_219 = vector.load %arg3[%get3A_217, %get3A_218] : memref<1x100000xf32, #tpu.memory_space<vmem>>, vector<1x8192xf32>
    %add3A_220 = arith.addf %dot_general3A_216, %get3A_219 : vector<1x8192xf32>
    %swap3A_221 = arith.constant 0 : index
    %swap3A_222 = arith.constant 32768 : index
    %swap3A_223 = vector.load %arg8[%swap3A_221, %swap3A_222] : memref<1x106496xf32, #tpu.memory_space<vmem>>, vector<1x8192xf32>
    tpu.vector_store %arg8[%swap3A_221, %swap3A_222], %add3A_220 {strides = array<i32>} : memref<1x106496xf32, #tpu.memory_space<vmem>>, vector<1x8192xf32>,
    %dma_start3A_224 = arith.constant 0 : i32
    %dma_start3A_225 = arith.constant 0 : i32
    %dma_start3A_226 = tpu.memref_slice %arg9[%dma_start3A_225] : memref<4x!tpu.dma_semaphore, #tpu.memory_space<semaphore_mem>> -> memref<1x!tpu.dma_semaphore, #tpu.memory_space<semaphore_mem>>
    %dma_start3A_227 = tpu.memref_squeeze %dma_start3A_226 : memref<1x!tpu.dma_semaphore, #tpu.memory_space<semaphore_mem>> -> memref<!tpu.dma_semaphore, #tpu.memory_space<semaphore_mem>>
    %dma_start3A_228 = arith.constant 0 : i32
    %dma_start3A_229 = arith.constant 0 : i32
    %dma_start3A_230 = tpu.memref_slice %arg6[%dma_start3A_224, %dma_start3A_228, %dma_start3A_229] : memref<4x128x8192xf32, #tpu.memory_space<vmem>> -> memref<1x128x8192xf32, #tpu.memory_space<vmem>>
    %dma_start3A_231 = tpu.memref_squeeze %dma_start3A_230 : memref<1x128x8192xf32, #tpu.memory_space<vmem>> -> memref<128x8192xf32, #tpu.memory_space<vmem>>
    %dma_start3A_232 = arith.constant 0 : i32
    %dma_start3A_233 = arith.constant 65536 : i32
    %dma_start3A_234 = tpu.memref_slice %arg4[%dma_start3A_232, %dma_start3A_233] : memref<128x100000xf32, #tpu.memory_space<any>> -> memref<128x8192xf32, #tpu.memory_space<any>>
    tpu.enqueue_dma source(%dma_start3A_234 : memref<128x8192xf32, #tpu.memory_space<any>>) target(%dma_start3A_231 : memref<128x8192xf32, #tpu.memory_space<vmem>>) target_semaphore(%dma_start3A_227 : memref<!tpu.dma_semaphore, #tpu.memory_space<semaphore_mem>>)
    %dma_wait3A_235 = arith.constant 1 : i32
    %dma_wait3A_236 = arith.constant 1 : i32
    %dma_wait3A_237 = tpu.memref_slice %arg9[%dma_wait3A_236] : memref<4x!tpu.dma_semaphore, #tpu.memory_space<semaphore_mem>> -> memref<1x!tpu.dma_semaphore, #tpu.memory_space<semaphore_mem>>
    %dma_wait3A_238 = tpu.memref_squeeze %dma_wait3A_237 : memref<1x!tpu.dma_semaphore, #tpu.memory_space<semaphore_mem>> -> memref<!tpu.dma_semaphore, #tpu.memory_space<semaphore_mem>>
    %dma_wait3A_239 = arith.constant 0 : i32
    %dma_wait3A_240 = arith.constant 0 : i32
    %dma_wait3A_241 = tpu.memref_slice %arg6[%dma_wait3A_235, %dma_wait3A_239, %dma_wait3A_240] : memref<4x128x8192xf32, #tpu.memory_space<vmem>> -> memref<1x128x8192xf32, #tpu.memory_space<vmem>>
    %dma_wait3A_242 = tpu.memref_squeeze %dma_wait3A_241 : memref<1x128x8192xf32, #tpu.memory_space<vmem>> -> memref<128x8192xf32, #tpu.memory_space<vmem>>
    %dma_wait3A_243 = arith.constant 0 : i32
    %dma_wait3A_244 = arith.constant 40960 : i32
    %dma_wait3A_245 = tpu.memref_slice %arg4[%dma_wait3A_243, %dma_wait3A_244] : memref<128x100000xf32, #tpu.memory_space<any>> -> memref<128x8192xf32, #tpu.memory_space<any>>
    tpu.wait_dma2 semaphore(%dma_wait3A_238 : memref<!tpu.dma_semaphore, #tpu.memory_space<semaphore_mem>>) src(%dma_wait3A_245 : memref<128x8192xf32, #tpu.memory_space<any>>) dst(%dma_wait3A_242 : memref<128x8192xf32, #tpu.memory_space<vmem>>)
    %get3A_246 = arith.constant 1 : index
    %get3A_247 = arith.constant 0 : index
    %get3A_248 = arith.constant 0 : index
    %get3A_249 = vector.load %arg6[%get3A_246, %get3A_247, %get3A_248] : memref<4x128x8192xf32, #tpu.memory_space<vmem>>, vector<1x128x8192xf32>
    %get3A_250 = vector.shape_cast %get3A_249 : vector<1x128x8192xf32> to vector<128x8192xf32>
    %dot_general3A_251 = arith.constant dense<0.000000e+00> : vector<1x8192xf32>
    %dot_general3A_252 = tpu.matmul %max3A_10, %get3A_250, %dot_general3A_251 {dimension_numbers = #tpu.dot_dimension_numbers<[1], [0], [0], [1], [0, 0, 1, 1], [], []>, transpose_lhs_hint = false} : vector<1x128xf32>, vector<128x8192xf32>, vector<1x8192xf32> -> vector<1x8192xf32>
    %get3A_253 = arith.constant 0 : index
    %get3A_254 = arith.constant 40960 : index
    %get3A_255 = vector.load %arg3[%get3A_253, %get3A_254] : memref<1x100000xf32, #tpu.memory_space<vmem>>, vector<1x8192xf32>
    %add3A_256 = arith.addf %dot_general3A_252, %get3A_255 : vector<1x8192xf32>
    %swap3A_257 = arith.constant 0 : index
    %swap3A_258 = arith.constant 40960 : index
    %swap3A_259 = vector.load %arg8[%swap3A_257, %swap3A_258] : memref<1x106496xf32, #tpu.memory_space<vmem>>, vector<1x8192xf32>
    tpu.vector_store %arg8[%swap3A_257, %swap3A_258], %add3A_256 {strides = array<i32>} : memref<1x106496xf32, #tpu.memory_space<vmem>>, vector<1x8192xf32>,
    %dma_start3A_260 = arith.constant 1 : i32
    %dma_start3A_261 = arith.constant 1 : i32
    %dma_start3A_262 = tpu.memref_slice %arg9[%dma_start3A_261] : memref<4x!tpu.dma_semaphore, #tpu.memory_space<semaphore_mem>> -> memref<1x!tpu.dma_semaphore, #tpu.memory_space<semaphore_mem>>
    %dma_start3A_263 = tpu.memref_squeeze %dma_start3A_262 : memref<1x!tpu.dma_semaphore, #tpu.memory_space<semaphore_mem>> -> memref<!tpu.dma_semaphore, #tpu.memory_space<semaphore_mem>>
    %dma_start3A_264 = arith.constant 0 : i32
    %dma_start3A_265 = arith.constant 0 : i32
    %dma_start3A_266 = tpu.memref_slice %arg6[%dma_start3A_260, %dma_start3A_264, %dma_start3A_265] : memref<4x128x8192xf32, #tpu.memory_space<vmem>> -> memref<1x128x8192xf32, #tpu.memory_space<vmem>>
    %dma_start3A_267 = tpu.memref_squeeze %dma_start3A_266 : memref<1x128x8192xf32, #tpu.memory_space<vmem>> -> memref<128x8192xf32, #tpu.memory_space<vmem>>
    %dma_start3A_268 = arith.constant 0 : i32
    %dma_start3A_269 = arith.constant 73728 : i32
    %dma_start3A_270 = tpu.memref_slice %arg4[%dma_start3A_268, %dma_start3A_269] : memref<128x100000xf32, #tpu.memory_space<any>> -> memref<128x8192xf32, #tpu.memory_space<any>>
    tpu.enqueue_dma source(%dma_start3A_270 : memref<128x8192xf32, #tpu.memory_space<any>>) target(%dma_start3A_267 : memref<128x8192xf32, #tpu.memory_space<vmem>>) target_semaphore(%dma_start3A_263 : memref<!tpu.dma_semaphore, #tpu.memory_space<semaphore_mem>>)
    %dma_wait3A_271 = arith.constant 2 : i32
    %dma_wait3A_272 = arith.constant 2 : i32
    %dma_wait3A_273 = tpu.memref_slice %arg9[%dma_wait3A_272] : memref<4x!tpu.dma_semaphore, #tpu.memory_space<semaphore_mem>> -> memref<1x!tpu.dma_semaphore, #tpu.memory_space<semaphore_mem>>
    %dma_wait3A_274 = tpu.memref_squeeze %dma_wait3A_273 : memref<1x!tpu.dma_semaphore, #tpu.memory_space<semaphore_mem>> -> memref<!tpu.dma_semaphore, #tpu.memory_space<semaphore_mem>>
    %dma_wait3A_275 = arith.constant 0 : i32
    %dma_wait3A_276 = arith.constant 0 : i32
    %dma_wait3A_277 = tpu.memref_slice %arg6[%dma_wait3A_271, %dma_wait3A_275, %dma_wait3A_276] : memref<4x128x8192xf32, #tpu.memory_space<vmem>> -> memref<1x128x8192xf32, #tpu.memory_space<vmem>>
    %dma_wait3A_278 = tpu.memref_squeeze %dma_wait3A_277 : memref<1x128x8192xf32, #tpu.memory_space<vmem>> -> memref<128x8192xf32, #tpu.memory_space<vmem>>
    %dma_wait3A_279 = arith.constant 0 : i32
    %dma_wait3A_280 = arith.constant 49152 : i32
    %dma_wait3A_281 = tpu.memref_slice %arg4[%dma_wait3A_279, %dma_wait3A_280] : memref<128x100000xf32, #tpu.memory_space<any>> -> memref<128x8192xf32, #tpu.memory_space<any>>
    tpu.wait_dma2 semaphore(%dma_wait3A_274 : memref<!tpu.dma_semaphore, #tpu.memory_space<semaphore_mem>>) src(%dma_wait3A_281 : memref<128x8192xf32, #tpu.memory_space<any>>) dst(%dma_wait3A_278 : memref<128x8192xf32, #tpu.memory_space<vmem>>)
    %get3A_282 = arith.constant 2 : index
    %get3A_283 = arith.constant 0 : index
    %get3A_284 = arith.constant 0 : index
    %get3A_285 = vector.load %arg6[%get3A_282, %get3A_283, %get3A_284] : memref<4x128x8192xf32, #tpu.memory_space<vmem>>, vector<1x128x8192xf32>
    %get3A_286 = vector.shape_cast %get3A_285 : vector<1x128x8192xf32> to vector<128x8192xf32>
    %dot_general3A_287 = arith.constant dense<0.000000e+00> : vector<1x8192xf32>
    %dot_general3A_288 = tpu.matmul %max3A_10, %get3A_286, %dot_general3A_287 {dimension_numbers = #tpu.dot_dimension_numbers<[1], [0], [0], [1], [0, 0, 1, 1], [], []>, transpose_lhs_hint = false} : vector<1x128xf32>, vector<128x8192xf32>, vector<1x8192xf32> -> vector<1x8192xf32>
    %get3A_289 = arith.constant 0 : index
    %get3A_290 = arith.constant 49152 : index
    %get3A_291 = vector.load %arg3[%get3A_289, %get3A_290] : memref<1x100000xf32, #tpu.memory_space<vmem>>, vector<1x8192xf32>
    %add3A_292 = arith.addf %dot_general3A_288, %get3A_291 : vector<1x8192xf32>
    %swap3A_293 = arith.constant 0 : index
    %swap3A_294 = arith.constant 49152 : index
    %swap3A_295 = vector.load %arg8[%swap3A_293, %swap3A_294] : memref<1x106496xf32, #tpu.memory_space<vmem>>, vector<1x8192xf32>
    tpu.vector_store %arg8[%swap3A_293, %swap3A_294], %add3A_292 {strides = array<i32>} : memref<1x106496xf32, #tpu.memory_space<vmem>>, vector<1x8192xf32>,
    %dma_start3A_296 = arith.constant 2 : i32
    %dma_start3A_297 = arith.constant 2 : i32
    %dma_start3A_298 = tpu.memref_slice %arg9[%dma_start3A_297] : memref<4x!tpu.dma_semaphore, #tpu.memory_space<semaphore_mem>> -> memref<1x!tpu.dma_semaphore, #tpu.memory_space<semaphore_mem>>
    %dma_start3A_299 = tpu.memref_squeeze %dma_start3A_298 : memref<1x!tpu.dma_semaphore, #tpu.memory_space<semaphore_mem>> -> memref<!tpu.dma_semaphore, #tpu.memory_space<semaphore_mem>>
    %dma_start3A_300 = arith.constant 0 : i32
    %dma_start3A_301 = arith.constant 0 : i32
    %dma_start3A_302 = tpu.memref_slice %arg6[%dma_start3A_296, %dma_start3A_300, %dma_start3A_301] : memref<4x128x8192xf32, #tpu.memory_space<vmem>> -> memref<1x128x8192xf32, #tpu.memory_space<vmem>>
    %dma_start3A_303 = tpu.memref_squeeze %dma_start3A_302 : memref<1x128x8192xf32, #tpu.memory_space<vmem>> -> memref<128x8192xf32, #tpu.memory_space<vmem>>
    %dma_start3A_304 = arith.constant 0 : i32
    %dma_start3A_305 = arith.constant 81920 : i32
    %dma_start3A_306 = tpu.memref_slice %arg4[%dma_start3A_304, %dma_start3A_305] : memref<128x100000xf32, #tpu.memory_space<any>> -> memref<128x8192xf32, #tpu.memory_space<any>>
    tpu.enqueue_dma source(%dma_start3A_306 : memref<128x8192xf32, #tpu.memory_space<any>>) target(%dma_start3A_303 : memref<128x8192xf32, #tpu.memory_space<vmem>>) target_semaphore(%dma_start3A_299 : memref<!tpu.dma_semaphore, #tpu.memory_space<semaphore_mem>>)
    %dma_wait3A_307 = arith.constant 3 : i32
    %dma_wait3A_308 = arith.constant 3 : i32
    %dma_wait3A_309 = tpu.memref_slice %arg9[%dma_wait3A_308] : memref<4x!tpu.dma_semaphore, #tpu.memory_space<semaphore_mem>> -> memref<1x!tpu.dma_semaphore, #tpu.memory_space<semaphore_mem>>
    %dma_wait3A_310 = tpu.memref_squeeze %dma_wait3A_309 : memref<1x!tpu.dma_semaphore, #tpu.memory_space<semaphore_mem>> -> memref<!tpu.dma_semaphore, #tpu.memory_space<semaphore_mem>>
    %dma_wait3A_311 = arith.constant 0 : i32
    %dma_wait3A_312 = arith.constant 0 : i32
    %dma_wait3A_313 = tpu.memref_slice %arg6[%dma_wait3A_307, %dma_wait3A_311, %dma_wait3A_312] : memref<4x128x8192xf32, #tpu.memory_space<vmem>> -> memref<1x128x8192xf32, #tpu.memory_space<vmem>>
    %dma_wait3A_314 = tpu.memref_squeeze %dma_wait3A_313 : memref<1x128x8192xf32, #tpu.memory_space<vmem>> -> memref<128x8192xf32, #tpu.memory_space<vmem>>
    %dma_wait3A_315 = arith.constant 0 : i32
    %dma_wait3A_316 = arith.constant 57344 : i32
    %dma_wait3A_317 = tpu.memref_slice %arg4[%dma_wait3A_315, %dma_wait3A_316] : memref<128x100000xf32, #tpu.memory_space<any>> -> memref<128x8192xf32, #tpu.memory_space<any>>
    tpu.wait_dma2 semaphore(%dma_wait3A_310 : memref<!tpu.dma_semaphore, #tpu.memory_space<semaphore_mem>>) src(%dma_wait3A_317 : memref<128x8192xf32, #tpu.memory_space<any>>) dst(%dma_wait3A_314 : memref<128x8192xf32, #tpu.memory_space<vmem>>)
    %get3A_318 = arith.constant 3 : index
    %get3A_319 = arith.constant 0 : index
    %get3A_320 = arith.constant 0 : index
    %get3A_321 = vector.load %arg6[%get3A_318, %get3A_319, %get3A_320] : memref<4x128x8192xf32, #tpu.memory_space<vmem>>, vector<1x128x8192xf32>
    %get3A_322 = vector.shape_cast %get3A_321 : vector<1x128x8192xf32> to vector<128x8192xf32>
    %dot_general3A_323 = arith.constant dense<0.000000e+00> : vector<1x8192xf32>
    %dot_general3A_324 = tpu.matmul %max3A_10, %get3A_322, %dot_general3A_323 {dimension_numbers = #tpu.dot_dimension_numbers<[1], [0], [0], [1], [0, 0, 1, 1], [], []>, transpose_lhs_hint = false} : vector<1x128xf32>, vector<128x8192xf32>, vector<1x8192xf32> -> vector<1x8192xf32>
    %get3A_325 = arith.constant 0 : index
    %get3A_326 = arith.constant 57344 : index
    %get3A_327 = vector.load %arg3[%get3A_325, %get3A_326] : memref<1x100000xf32, #tpu.memory_space<vmem>>, vector<1x8192xf32>
    %add3A_328 = arith.addf %dot_general3A_324, %get3A_327 : vector<1x8192xf32>
    %swap3A_329 = arith.constant 0 : index
    %swap3A_330 = arith.constant 57344 : index
    %swap3A_331 = vector.load %arg8[%swap3A_329, %swap3A_330] : memref<1x106496xf32, #tpu.memory_space<vmem>>, vector<1x8192xf32>
    tpu.vector_store %arg8[%swap3A_329, %swap3A_330], %add3A_328 {strides = array<i32>} : memref<1x106496xf32, #tpu.memory_space<vmem>>, vector<1x8192xf32>,
    %dma_start3A_332 = arith.constant 3 : i32
    %dma_start3A_333 = arith.constant 3 : i32
    %dma_start3A_334 = tpu.memref_slice %arg9[%dma_start3A_333] : memref<4x!tpu.dma_semaphore, #tpu.memory_space<semaphore_mem>> -> memref<1x!tpu.dma_semaphore, #tpu.memory_space<semaphore_mem>>
    %dma_start3A_335 = tpu.memref_squeeze %dma_start3A_334 : memref<1x!tpu.dma_semaphore, #tpu.memory_space<semaphore_mem>> -> memref<!tpu.dma_semaphore, #tpu.memory_space<semaphore_mem>>
    %dma_start3A_336 = arith.constant 0 : i32
    %dma_start3A_337 = arith.constant 0 : i32
    %dma_start3A_338 = tpu.memref_slice %arg6[%dma_start3A_332, %dma_start3A_336, %dma_start3A_337] : memref<4x128x8192xf32, #tpu.memory_space<vmem>> -> memref<1x128x8192xf32, #tpu.memory_space<vmem>>
    %dma_start3A_339 = tpu.memref_squeeze %dma_start3A_338 : memref<1x128x8192xf32, #tpu.memory_space<vmem>> -> memref<128x8192xf32, #tpu.memory_space<vmem>>
    %dma_start3A_340 = arith.constant 0 : i32
    %dma_start3A_341 = arith.constant 90112 : i32
    %dma_start3A_342 = tpu.memref_slice %arg4[%dma_start3A_340, %dma_start3A_341] : memref<128x100000xf32, #tpu.memory_space<any>> -> memref<128x8192xf32, #tpu.memory_space<any>>
    tpu.enqueue_dma source(%dma_start3A_342 : memref<128x8192xf32, #tpu.memory_space<any>>) target(%dma_start3A_339 : memref<128x8192xf32, #tpu.memory_space<vmem>>) target_semaphore(%dma_start3A_335 : memref<!tpu.dma_semaphore, #tpu.memory_space<semaphore_mem>>)
    %dma_wait3A_343 = arith.constant 0 : i32
    %dma_wait3A_344 = arith.constant 0 : i32
    %dma_wait3A_345 = tpu.memref_slice %arg9[%dma_wait3A_344] : memref<4x!tpu.dma_semaphore, #tpu.memory_space<semaphore_mem>> -> memref<1x!tpu.dma_semaphore, #tpu.memory_space<semaphore_mem>>
    %dma_wait3A_346 = tpu.memref_squeeze %dma_wait3A_345 : memref<1x!tpu.dma_semaphore, #tpu.memory_space<semaphore_mem>> -> memref<!tpu.dma_semaphore, #tpu.memory_space<semaphore_mem>>
    %dma_wait3A_347 = arith.constant 0 : i32
    %dma_wait3A_348 = arith.constant 0 : i32
    %dma_wait3A_349 = tpu.memref_slice %arg6[%dma_wait3A_343, %dma_wait3A_347, %dma_wait3A_348] : memref<4x128x8192xf32, #tpu.memory_space<vmem>> -> memref<1x128x8192xf32, #tpu.memory_space<vmem>>
    %dma_wait3A_350 = tpu.memref_squeeze %dma_wait3A_349 : memref<1x128x8192xf32, #tpu.memory_space<vmem>> -> memref<128x8192xf32, #tpu.memory_space<vmem>>
    %dma_wait3A_351 = arith.constant 0 : i32
    %dma_wait3A_352 = arith.constant 65536 : i32
    %dma_wait3A_353 = tpu.memref_slice %arg4[%dma_wait3A_351, %dma_wait3A_352] : memref<128x100000xf32, #tpu.memory_space<any>> -> memref<128x8192xf32, #tpu.memory_space<any>>
    tpu.wait_dma2 semaphore(%dma_wait3A_346 : memref<!tpu.dma_semaphore, #tpu.memory_space<semaphore_mem>>) src(%dma_wait3A_353 : memref<128x8192xf32, #tpu.memory_space<any>>) dst(%dma_wait3A_350 : memref<128x8192xf32, #tpu.memory_space<vmem>>)
    %get3A_354 = arith.constant 0 : index
    %get3A_355 = arith.constant 0 : index
    %get3A_356 = arith.constant 0 : index
    %get3A_357 = vector.load %arg6[%get3A_354, %get3A_355, %get3A_356] : memref<4x128x8192xf32, #tpu.memory_space<vmem>>, vector<1x128x8192xf32>
    %get3A_358 = vector.shape_cast %get3A_357 : vector<1x128x8192xf32> to vector<128x8192xf32>
    %dot_general3A_359 = arith.constant dense<0.000000e+00> : vector<1x8192xf32>
    %dot_general3A_360 = tpu.matmul %max3A_10, %get3A_358, %dot_general3A_359 {dimension_numbers = #tpu.dot_dimension_numbers<[1], [0], [0], [1], [0, 0, 1, 1], [], []>, transpose_lhs_hint = false} : vector<1x128xf32>, vector<128x8192xf32>, vector<1x8192xf32> -> vector<1x8192xf32>
    %get3A_361 = arith.constant 0 : index
    %get3A_362 = arith.constant 65536 : index
    %get3A_363 = vector.load %arg3[%get3A_361, %get3A_362] : memref<1x100000xf32, #tpu.memory_space<vmem>>, vector<1x8192xf32>
    %add3A_364 = arith.addf %dot_general3A_360, %get3A_363 : vector<1x8192xf32>
    %swap3A_365 = arith.constant 0 : index
    %swap3A_366 = arith.constant 65536 : index
    %swap3A_367 = vector.load %arg8[%swap3A_365, %swap3A_366] : memref<1x106496xf32, #tpu.memory_space<vmem>>, vector<1x8192xf32>
    tpu.vector_store %arg8[%swap3A_365, %swap3A_366], %add3A_364 {strides = array<i32>} : memref<1x106496xf32, #tpu.memory_space<vmem>>, vector<1x8192xf32>,
    %dma_wait3A_368 = arith.constant 1 : i32
    %dma_wait3A_369 = arith.constant 1 : i32
    %dma_wait3A_370 = tpu.memref_slice %arg9[%dma_wait3A_369] : memref<4x!tpu.dma_semaphore, #tpu.memory_space<semaphore_mem>> -> memref<1x!tpu.dma_semaphore, #tpu.memory_space<semaphore_mem>>
    %dma_wait3A_371 = tpu.memref_squeeze %dma_wait3A_370 : memref<1x!tpu.dma_semaphore, #tpu.memory_space<semaphore_mem>> -> memref<!tpu.dma_semaphore, #tpu.memory_space<semaphore_mem>>
    %dma_wait3A_372 = arith.constant 0 : i32
    %dma_wait3A_373 = arith.constant 0 : i32
    %dma_wait3A_374 = tpu.memref_slice %arg6[%dma_wait3A_368, %dma_wait3A_372, %dma_wait3A_373] : memref<4x128x8192xf32, #tpu.memory_space<vmem>> -> memref<1x128x8192xf32, #tpu.memory_space<vmem>>
    %dma_wait3A_375 = tpu.memref_squeeze %dma_wait3A_374 : memref<1x128x8192xf32, #tpu.memory_space<vmem>> -> memref<128x8192xf32, #tpu.memory_space<vmem>>
    %dma_wait3A_376 = arith.constant 0 : i32
    %dma_wait3A_377 = arith.constant 73728 : i32
    %dma_wait3A_378 = tpu.memref_slice %arg4[%dma_wait3A_376, %dma_wait3A_377] : memref<128x100000xf32, #tpu.memory_space<any>> -> memref<128x8192xf32, #tpu.memory_space<any>>
    tpu.wait_dma2 semaphore(%dma_wait3A_371 : memref<!tpu.dma_semaphore, #tpu.memory_space<semaphore_mem>>) src(%dma_wait3A_378 : memref<128x8192xf32, #tpu.memory_space<any>>) dst(%dma_wait3A_375 : memref<128x8192xf32, #tpu.memory_space<vmem>>)
    %get3A_379 = arith.constant 1 : index
    %get3A_380 = arith.constant 0 : index
    %get3A_381 = arith.constant 0 : index
    %get3A_382 = vector.load %arg6[%get3A_379, %get3A_380, %get3A_381] : memref<4x128x8192xf32, #tpu.memory_space<vmem>>, vector<1x128x8192xf32>
    %get3A_383 = vector.shape_cast %get3A_382 : vector<1x128x8192xf32> to vector<128x8192xf32>
    %dot_general3A_384 = arith.constant dense<0.000000e+00> : vector<1x8192xf32>
    %dot_general3A_385 = tpu.matmul %max3A_10, %get3A_383, %dot_general3A_384 {dimension_numbers = #tpu.dot_dimension_numbers<[1], [0], [0], [1], [0, 0, 1, 1], [], []>, transpose_lhs_hint = false} : vector<1x128xf32>, vector<128x8192xf32>, vector<1x8192xf32> -> vector<1x8192xf32>
    %get3A_386 = arith.constant 0 : index
    %get3A_387 = arith.constant 73728 : index
    %get3A_388 = vector.load %arg3[%get3A_386, %get3A_387] : memref<1x100000xf32, #tpu.memory_space<vmem>>, vector<1x8192xf32>
    %add3A_389 = arith.addf %dot_general3A_385, %get3A_388 : vector<1x8192xf32>
    %swap3A_390 = arith.constant 0 : index
    %swap3A_391 = arith.constant 73728 : index
    %swap3A_392 = vector.load %arg8[%swap3A_390, %swap3A_391] : memref<1x106496xf32, #tpu.memory_space<vmem>>, vector<1x8192xf32>
    tpu.vector_store %arg8[%swap3A_390, %swap3A_391], %add3A_389 {strides = array<i32>} : memref<1x106496xf32, #tpu.memory_space<vmem>>, vector<1x8192xf32>,
    %dma_wait3A_393 = arith.constant 2 : i32
    %dma_wait3A_394 = arith.constant 2 : i32
    %dma_wait3A_395 = tpu.memref_slice %arg9[%dma_wait3A_394] : memref<4x!tpu.dma_semaphore, #tpu.memory_space<semaphore_mem>> -> memref<1x!tpu.dma_semaphore, #tpu.memory_space<semaphore_mem>>
    %dma_wait3A_396 = tpu.memref_squeeze %dma_wait3A_395 : memref<1x!tpu.dma_semaphore, #tpu.memory_space<semaphore_mem>> -> memref<!tpu.dma_semaphore, #tpu.memory_space<semaphore_mem>>
    %dma_wait3A_397 = arith.constant 0 : i32
    %dma_wait3A_398 = arith.constant 0 : i32
    %dma_wait3A_399 = tpu.memref_slice %arg6[%dma_wait3A_393, %dma_wait3A_397, %dma_wait3A_398] : memref<4x128x8192xf32, #tpu.memory_space<vmem>> -> memref<1x128x8192xf32, #tpu.memory_space<vmem>>
    %dma_wait3A_400 = tpu.memref_squeeze %dma_wait3A_399 : memref<1x128x8192xf32, #tpu.memory_space<vmem>> -> memref<128x8192xf32, #tpu.memory_space<vmem>>
    %dma_wait3A_401 = arith.constant 0 : i32
    %dma_wait3A_402 = arith.constant 81920 : i32
    %dma_wait3A_403 = tpu.memref_slice %arg4[%dma_wait3A_401, %dma_wait3A_402] : memref<128x100000xf32, #tpu.memory_space<any>> -> memref<128x8192xf32, #tpu.memory_space<any>>
    tpu.wait_dma2 semaphore(%dma_wait3A_396 : memref<!tpu.dma_semaphore, #tpu.memory_space<semaphore_mem>>) src(%dma_wait3A_403 : memref<128x8192xf32, #tpu.memory_space<any>>) dst(%dma_wait3A_400 : memref<128x8192xf32, #tpu.memory_space<vmem>>)
    %get3A_404 = arith.constant 2 : index
    %get3A_405 = arith.constant 0 : index
    %get3A_406 = arith.constant 0 : index
    %get3A_407 = vector.load %arg6[%get3A_404, %get3A_405, %get3A_406] : memref<4x128x8192xf32, #tpu.memory_space<vmem>>, vector<1x128x8192xf32>
    %get3A_408 = vector.shape_cast %get3A_407 : vector<1x128x8192xf32> to vector<128x8192xf32>
    %dot_general3A_409 = arith.constant dense<0.000000e+00> : vector<1x8192xf32>
    %dot_general3A_410 = tpu.matmul %max3A_10, %get3A_408, %dot_general3A_409 {dimension_numbers = #tpu.dot_dimension_numbers<[1], [0], [0], [1], [0, 0, 1, 1], [], []>, transpose_lhs_hint = false} : vector<1x128xf32>, vector<128x8192xf32>, vector<1x8192xf32> -> vector<1x8192xf32>
    %get3A_411 = arith.constant 0 : index
    %get3A_412 = arith.constant 81920 : index
    %get3A_413 = vector.load %arg3[%get3A_411, %get3A_412] : memref<1x100000xf32, #tpu.memory_space<vmem>>, vector<1x8192xf32>
    %add3A_414 = arith.addf %dot_general3A_410, %get3A_413 : vector<1x8192xf32>
    %swap3A_415 = arith.constant 0 : index
    %swap3A_416 = arith.constant 81920 : index
    %swap3A_417 = vector.load %arg8[%swap3A_415, %swap3A_416] : memref<1x106496xf32, #tpu.memory_space<vmem>>, vector<1x8192xf32>
    tpu.vector_store %arg8[%swap3A_415, %swap3A_416], %add3A_414 {strides = array<i32>} : memref<1x106496xf32, #tpu.memory_space<vmem>>, vector<1x8192xf32>,
    %dma_wait3A_418 = arith.constant 3 : i32
    %dma_wait3A_419 = arith.constant 3 : i32
    %dma_wait3A_420 = tpu.memref_slice %arg9[%dma_wait3A_419] : memref<4x!tpu.dma_semaphore, #tpu.memory_space<semaphore_mem>> -> memref<1x!tpu.dma_semaphore, #tpu.memory_space<semaphore_mem>>
    %dma_wait3A_421 = tpu.memref_squeeze %dma_wait3A_420 : memref<1x!tpu.dma_semaphore, #tpu.memory_space<semaphore_mem>> -> memref<!tpu.dma_semaphore, #tpu.memory_space<semaphore_mem>>
    %dma_wait3A_422 = arith.constant 0 : i32
    %dma_wait3A_423 = arith.constant 0 : i32
    %dma_wait3A_424 = tpu.memref_slice %arg6[%dma_wait3A_418, %dma_wait3A_422, %dma_wait3A_423] : memref<4x128x8192xf32, #tpu.memory_space<vmem>> -> memref<1x128x8192xf32, #tpu.memory_space<vmem>>
    %dma_wait3A_425 = tpu.memref_squeeze %dma_wait3A_424 : memref<1x128x8192xf32, #tpu.memory_space<vmem>> -> memref<128x8192xf32, #tpu.memory_space<vmem>>
    %dma_wait3A_426 = arith.constant 0 : i32
    %dma_wait3A_427 = arith.constant 90112 : i32
    %dma_wait3A_428 = tpu.memref_slice %arg4[%dma_wait3A_426, %dma_wait3A_427] : memref<128x100000xf32, #tpu.memory_space<any>> -> memref<128x8192xf32, #tpu.memory_space<any>>
    tpu.wait_dma2 semaphore(%dma_wait3A_421 : memref<!tpu.dma_semaphore, #tpu.memory_space<semaphore_mem>>) src(%dma_wait3A_428 : memref<128x8192xf32, #tpu.memory_space<any>>) dst(%dma_wait3A_425 : memref<128x8192xf32, #tpu.memory_space<vmem>>)
    %get3A_429 = arith.constant 3 : index
    %get3A_430 = arith.constant 0 : index
    %get3A_431 = arith.constant 0 : index
    %get3A_432 = vector.load %arg6[%get3A_429, %get3A_430, %get3A_431] : memref<4x128x8192xf32, #tpu.memory_space<vmem>>, vector<1x128x8192xf32>
    %get3A_433 = vector.shape_cast %get3A_432 : vector<1x128x8192xf32> to vector<128x8192xf32>
    %dot_general3A_434 = arith.constant dense<0.000000e+00> : vector<1x8192xf32>
    %dot_general3A_435 = tpu.matmul %max3A_10, %get3A_433, %dot_general3A_434 {dimension_numbers = #tpu.dot_dimension_numbers<[1], [0], [0], [1], [0, 0, 1, 1], [], []>, transpose_lhs_hint = false} : vector<1x128xf32>, vector<128x8192xf32>, vector<1x8192xf32> -> vector<1x8192xf32>
    %get3A_436 = arith.constant 0 : index
    %get3A_437 = arith.constant 90112 : index
    %get3A_438 = vector.load %arg3[%get3A_436, %get3A_437] : memref<1x100000xf32, #tpu.memory_space<vmem>>, vector<1x8192xf32>
    %add3A_439 = arith.addf %dot_general3A_435, %get3A_438 : vector<1x8192xf32>
    %swap3A_440 = arith.constant 0 : index
    %swap3A_441 = arith.constant 90112 : index
    %swap3A_442 = vector.load %arg8[%swap3A_440, %swap3A_441] : memref<1x106496xf32, #tpu.memory_space<vmem>>, vector<1x8192xf32>
    tpu.vector_store %arg8[%swap3A_440, %swap3A_441], %add3A_439 {strides = array<i32>} : memref<1x106496xf32, #tpu.memory_space<vmem>>, vector<1x8192xf32>,
    %dma_wait3A_443 = arith.constant 0 : i32
    %dma_wait3A_444 = arith.constant 98304 : i32
    %dma_wait3A_445 = tpu.memref_slice %arg4[%dma_wait3A_443, %dma_wait3A_444] : memref<128x100000xf32, #tpu.memory_space<any>> -> memref<128x1696xf32, #tpu.memory_space<any>>
    tpu.wait_dma2 semaphore(%arg10 : memref<!tpu.dma_semaphore, #tpu.memory_space<semaphore_mem>>) src(%dma_wait3A_445 : memref<128x1696xf32, #tpu.memory_space<any>>) dst(%arg7 : memref<128x1696xf32, #tpu.memory_space<vmem>>)
    %get3A_446 = arith.constant 0 : index
    %get3A_447 = arith.constant 0 : index
    %get3A_448 = vector.load %arg7[%get3A_446, %get3A_447] : memref<128x1696xf32, #tpu.memory_space<vmem>>, vector<128x1696xf32>
    %dot_general3A_449 = arith.constant dense<0.000000e+00> : vector<1x1696xf32>
    %dot_general3A_450 = tpu.matmul %max3A_10, %get3A_448, %dot_general3A_449 {dimension_numbers = #tpu.dot_dimension_numbers<[1], [0], [0], [1], [0, 0, 1, 1], [], []>, transpose_lhs_hint = false} : vector<1x128xf32>, vector<128x1696xf32>, vector<1x1696xf32> -> vector<1x1696xf32>
    %get3A_451 = arith.constant 0 : index
    %get3A_452 = arith.constant 98304 : index
    %get3A_453 = vector.load %arg3[%get3A_451, %get3A_452] : memref<1x100000xf32, #tpu.memory_space<vmem>>, vector<1x1696xf32>
    %add3A_454 = arith.addf %dot_general3A_450, %get3A_453 : vector<1x1696xf32>
    %swap3A_455 = arith.constant 0 : index
    %swap3A_456 = arith.constant 98304 : index
    %swap3A_457 = vector.load %arg8[%swap3A_455, %swap3A_456] : memref<1x106496xf32, #tpu.memory_space<vmem>>, vector<1x1696xf32>
    tpu.vector_store %arg8[%swap3A_455, %swap3A_456], %add3A_454 {strides = array<i32>} : memref<1x106496xf32, #tpu.memory_space<vmem>>, vector<1x1696xf32>,
    %get3A_458 = arith.constant 0 : index
    %get3A_459 = arith.constant 0 : index
    %get3A_460 = vector.load %arg8[%get3A_458, %get3A_459] : memref<1x106496xf32, #tpu.memory_space<vmem>>, vector<1x106496xf32>
    %iota3A = tpu.iota {dimensions = array<i32: 1>} : vector<1x106496xi32>
    %lt3A = arith.constant 100000 : i32
    %lt3A_461 = vector.broadcast %lt3A : i32 to vector<1x106496xi32>
    %lt3A_462 = arith.cmpi slt, %iota3A, %lt3A_461 : vector<1x106496xi32>
    %jit3A = arith.constant 0xFF800000 : f32
    %broadcast_in_dim3A = vector.broadcast %jit3A : f32 to vector<1x106496xf32>
    %select_n3A = arith.select %lt3A_462, %get3A_460, %broadcast_in_dim3A : vector<1x106496xi1>, vector<1x106496xf32>
    %reduce_max3A = vector.shape_cast %select_n3A : vector<1x106496xf32> to vector<1x1x106496xf32>
    %reduce_max3A_463 = arith.constant dense<0xFF800000> : vector<1xf32>
    %reduce_max3A_464 = vector.multi_reduction <maximumf>, %reduce_max3A, %reduce_max3A_463 [1, 2] : vector<1x1x106496xf32> to vector<1xf32>
    %reduce_max3A_465 = vector.shape_cast %reduce_max3A_464 : vector<1xf32> to vector<1x1x1xf32>
    %reduce_max3A_466 = vector.extract %reduce_max3A_465[0, 0, 0] : f32 from vector<1x1x1xf32>
    %sub3A = vector.broadcast %reduce_max3A_466 : f32 to vector<1x106496xf32>
    %sub3A_467 = arith.subf %get3A_460, %sub3A : vector<1x106496xf32>
    %exp3A = math.exp %sub3A_467 : vector<1x106496xf32>
    %jit3A_468 = arith.constant 0.000000e+00 : f32
    %broadcast_in_dim3A_469 = vector.broadcast %jit3A_468 : f32 to vector<1x106496xf32>
    %select_n3A_470 = arith.select %lt3A_462, %exp3A, %broadcast_in_dim3A_469 : vector<1x106496xi1>, vector<1x106496xf32>
    %reduce_sum3A = vector.shape_cast %select_n3A_470 : vector<1x106496xf32> to vector<1x1x106496xf32>
    %reduce_sum3A_471 = arith.constant dense<0.000000e+00> : vector<1xf32>
    %reduce_sum3A_472 = vector.multi_reduction <add>, %reduce_sum3A, %reduce_sum3A_471 [1, 2] : vector<1x1x106496xf32> to vector<1xf32>
    %reduce_sum3A_473 = vector.shape_cast %reduce_sum3A_472 : vector<1xf32> to vector<1x1x1xf32>
    %reduce_sum3A_474 = vector.extract %reduce_sum3A_473[0, 0, 0] : f32 from vector<1x1x1xf32>
    %log3A = math.log %reduce_sum3A_474 : f32
    %add3A_475 = arith.addf %reduce_max3A_466, %log3A : f32
    %sub3A_476 = vector.broadcast %add3A_475 : f32 to vector<1x106496xf32>
    %sub3A_477 = arith.subf %get3A_460, %sub3A_476 : vector<1x106496xf32>
    %slice3A = vector.extract_strided_slice %sub3A_477 {offsets = [0, 0], sizes = [1, 100000], strides = [1, 1]} : vector<1x106496xf32> to vector<1x100000xf32>
    %swap3A_478 = arith.constant 0 : index
    %swap3A_479 = arith.constant 0 : index
    %swap3A_480 = vector.load %arg5[%swap3A_478, %swap3A_479] : memref<1x100000xf32, #tpu.memory_space<vmem>>, vector<1x100000xf32>
    tpu.vector_store %arg5[%swap3A_478, %swap3A_479], %slice3A {strides = array<i32>} : memref<1x100000xf32, #tpu.memory_space<vmem>>, vector<1x100000xf32>,
    return
  }
}

</mosaic_0001>

<sc_bundles>
// kernel: kernel.4.cloned.1.call-start
scs
__scs_entry_jumppad:
0x0: {  	(pc) =	sbr.rel $0x88, $3  }
0x1: {  	(tag) =	ssettag $0x0;
	lr =	simm.s32 $0x1  }
0x2: {  	[smem:$0x3F9B] =	sst lr;
	_ =	strace $0xD0000000  }
0x3: {  	_ = 	snop  }
0x4: {  	_ = 	snop  }
0x5: {  	_ = 	snop  }
0x6: {  	_ = 	snop  }
0x7: {  	_ = 	snop  }
__scs_overlays_trampoline_lowered:
0x8: {  	[smem:$0x3FAA] =	sst s0  }
0x9: {  	[smem:$0x3FAB] =	sst s1  }
0xa: {  	[smem:$0x3FAC] =	sst s2  }
0xb: {  	[smem:$0x3FAD] =	sst s3  }
0xc: {  	[smem:$0x3FAE] =	sst s4  }
0xd: {  	[smem:$0x3FAF] =	sst s5  }
0xe: {  	[smem:$0x3FB0] =	sst s6  }
0xf: {  	[smem:$0x3FB1] =	sst s7  }
0x10: {  	[smem:$0x3FB2] =	sst s8  }
0x11: {  	[smem:$0x3FB3] =	sst s9;
	s0 =	simm.s32 @!p0 $0x0  }
0x12: {  	s1 =	sld [smem:$0x3F99];
	s0 =	simm.s32 @p0 $0x1  }
0x13: {  	[smem:$0x3FB4] =	sst s0;
	s0 =	simm.s32 @!p1 $0x0  }
0x14: {  	s2 =	sld [smem:$0x3F98];
	s0 =	simm.s32 @p1 $0x1  }
0x15: {  	[smem:$0x3FB5] =	sst s0;
	s0 =	simm.s32 @!p2 $0x0  }
0x16: {  	s3 =	sld [smem:$0x3FDB];
	s0 =	simm.s32 @p2 $0x1  }
0x17: {  	s4 =	simm.s32 $0x1BF5;
	[smem:$0x3FB7] =	sst s0  }
0x18: {  	s0 =	sld [smem:$0x3F9A];
	_ =	swait.ge [sflag:s4], $0x0  }
0x19: {  	s7 =	sld [smem:$0x3F9B]  }
0x1a: {  	s8 =	sadd.s32 $0xFFFFE003, lr  }
0x1b: {  	s9 =	sadd.s32 $0xFFFFFEF7, lr;
	s5 =	simm.s32 $0xFFFFFFFF;
	p2 =	slt.u32 s8, $0xFFFFF086  }
0x1c: {  	p1 =	slt.u32 s9, $0xF7A;
	s5 =	simm.s32 @!p2 $0x0  }
0x1d: {  	s5 =	simm.s32 @p1 $0x1;
	p0 =	seq.s32 s7, s2  }
0x1e: {  	s7 =	smul.u32 @!p0 $0xF7A, s2;
	p2 =	seq.s32 @!p0 s5, $0x0  }
0x1f: {  	s9 =	smul.u32 $0xF7A, s1;
	s8 =	simm.s32 @!p0 $0x1BF5;
	p2 =	por !p2, p0  }
0x20: {  	[sflag:s8] =	ssyncset.s32 @!p0 $0xFFFFF086;
	s6 =	sadd.s32 @!p0 s3, s7;
	s7 =	simm.s32 @!p0 $0x108  }
0x21: {  	s3 =	sadd.s32 s3, s9;
	s6 =	sadd.s32 @!p0 $0x88, s6;
	s7 =	simm.s32 @p2 $0x1082  }
0x22: {  	[simem:s7], [sflag:s8] =	dma.local @!p0 [hbm:s6], $0xF7A  }
0x23: {  	s9 =	sor.u32 $0xD0000000, s2;
	s6 =	simm.s32 $0x108;
	_ =	swait.ge @!p0 [sflag:s8], $0x0  }
0x24: {  	s3 =	sadd.s32 $0x88, s3;
	s6 =	simm.s32 @!p1 $0x1082;
	[sflag:s4] =	ssyncset.s32 $0xFFFFF086  }
0x25: {  	[simem:s6], [sflag:s4] =	dma.local [hbm:s3], $0xF7A  }
0x26: {  	[smem:$0x3F9B] =	sst s1;
	(tag) =	ssettag s2;
	_ =	strace s9  }
0x27: {  	s1 =	sld [smem:$0x3FAB]  }
0x28: {  	s2 =	sld [smem:$0x3FAC]  }
0x29: {  	s4 =	sld [smem:$0x3FAE]  }
0x2a: {  	p0 =	seq.s32 s5, $0x0;
	s5 =	sld [smem:$0x3FAF]  }
0x2b: {  	s6 =	sld [smem:$0x3FB0]  }
0x2c: {  	s7 =	sld [smem:$0x3FB1]  }
0x2d: {  	s3 =	simm.s32 $0x108;
	s8 =	sld [smem:$0x3FB2]  }
0x2e: {  	s3 =	simm.s32 @!p0 $0x1082;
	s9 =	sld [smem:$0x3FB3]  }
0x2f: {  	lr =	sadd.s32 s0, s3;
	s0 =	sld [smem:$0x3FAA]  }
0x30: {  	s3 =	sld [smem:$0x3FAD]  }
0x31: {  	[smem:$0x3FB6] =	sst s10  }
0x32: {  	s10 =	sld [smem:$0x3FB4];
	_ =	sdelay $0x3  }
0x33: {  	p0 =	seq.s32 s10, $0x1;
	s10 =	sld [smem:$0x3FB6];
	_ =	sdelay $0x3  }
0x34: {  	[smem:$0x3FB6] =	sst s10  }
0x35: {  	s10 =	sld [smem:$0x3FB5];
	_ =	sdelay $0x3  }
0x36: {  	p1 =	seq.s32 s10, $0x1;
	s10 =	sld [smem:$0x3FB6];
	_ =	sdelay $0x3  }
0x37: {  	[smem:$0x3FB6] =	sst s10  }
0x38: {  	s10 =	sld [smem:$0x3FB7]  }
0x39: {  	_ = 	snop;
	(pc) =	sbr.ind lr, $3  }
0x3a: {  	_ = 	snop  }
0x3b: {  	_ = 	snop  }
0x3c: {  	p2 =	seq.s32 s10, $0x1;
	s10 =	sld [smem:$0x3FB6]  }
0x3d: {  	_ =	shalt  }
0x3e: {  	_ =	shalt  }
0x3f: {  	_ =	shalt  }
0x40: {  	_ =	shalt  }
0x41: {  	_ =	shalt  }
0x42: {  	_ =	shalt  }
0x43: {  	_ =	shalt  }
0x44: {  	_ =	shalt  }
0x45: {  	_ =	shalt  }
0x46: {  	_ =	shalt  }
0x47: {  	_ =	shalt  }
0x48: {  	_ =	shalt  }
0x49: {  	_ =	shalt  }
0x4a: {  	_ =	shalt  }
0x4b: {  	_ =	shalt  }
0x4c: {  	_ =	shalt  }
0x4d: {  	_ =	shalt  }
0x4e: {  	_ =	shalt  }
0x4f: {  	_ =	shalt  }
0x50: {  	_ =	shalt  }
0x51: {  	_ =	shalt  }
0x52: {  	_ =	shalt  }
0x53: {  	_ =	shalt  }
0x54: {  	_ =	shalt  }
0x55: {  	_ =	shalt  }
0x56: {  	_ =	shalt  }
0x57: {  	_ =	shalt  }
0x58: {  	_ =	shalt  }
0x59: {  	_ =	shalt  }
0x5a: {  	_ =	shalt  }
0x5b: {  	_ =	shalt  }
0x5c: {  	_ =	shalt  }
0x5d: {  	_ =	shalt  }
0x5e: {  	_ =	shalt  }
0x5f: {  	_ =	shalt  }
0x60: {  	_ =	shalt  }
0x61: {  	_ =	shalt  }
0x62: {  	_ =	shalt  }
0x63: {  	_ =	shalt  }
0x64: {  	_ =	shalt  }
0x65: {  	_ =	shalt  }
0x66: {  	_ =	shalt  }
0x67: {  	_ =	shalt  }
0x68: {  	_ =	shalt  }
0x69: {  	_ =	shalt  }
0x6a: {  	_ =	shalt  }
0x6b: {  	_ =	shalt  }
0x6c: {  	_ =	shalt  }
0x6d: {  	_ =	shalt  }
0x6e: {  	_ =	shalt  }
0x6f: {  	_ =	shalt  }
0x70: {  	_ =	shalt  }
0x71: {  	_ =	shalt  }
0x72: {  	_ =	shalt  }
0x73: {  	_ =	shalt  }
0x74: {  	_ =	shalt  }
0x75: {  	_ =	shalt  }
0x76: {  	_ =	shalt  }
0x77: {  	_ =	shalt  }
0x78: {  	_ =	shalt  }
0x79: {  	_ =	shalt  }
0x7a: {  	_ =	shalt  }
0x7b: {  	_ =	shalt  }
0x7c: {  	_ =	shalt  }
0x7d: {  	_ =	shalt  }
0x7e: {  	_ =	shalt  }
0x7f: {  	_ =	shalt  }
0x80: {  	_ =	shalt  }
0x81: {  	_ =	shalt  }
0x82: {  	_ =	shalt  }
0x83: {  	_ =	shalt  }
0x84: {  	_ =	shalt  }
0x85: {  	_ =	shalt  }
0x86: {  	_ =	shalt  }
0x87: {  	_ =	shalt  }
.Lfunc_end0:
.L_simem_size_0:
called_computation_lowered:
.L_overlay_start_0:
0x88: {  	s2 =	sld [smem:$0x3FD9]  }
0x89: {  	s3 =	sld [smem:$0x3FFE];
	_ =	sdelay $0x1  }
0x8a: {  	s1 =	srdreg.scid  }
0x8b: {  	s0 =	sand.u32 $0x1, s1  }
0x8c: {  	s14 =	sshll.u32 s0, $0xA;
	s2 =	sadd.s32 s3, s2  }
0x8d: {  	s2 =	sadd.s32 s2, s14  }
0x8e: {  	[smem:$0x3FC2] =	sst s2  }
0x8f: {  	_ = 	snop  }
0x90: {  	s2 =	sld [smem:$0x3FD0];
	_ =	sdelay $0x2  }
0x91: {  	s4 =	simm.s32 $0xA;
	s5 =	simm.s32 $0x10;
	s15 =	sld [smem:$0x3FC9]  }
0x92: {  	[smem:s5], [sflag:s4] =	dma.local [hbm:s2], $0x1  }
0x93: {  	_ =	swait.eq [sflag:s4], $0x1  }
0x94: {  	[sflag:s4] =	ssyncset.done $0x0  }
0x95: {  	[sflag:s4] =	ssyncadd.s32 $0xFFFFFFFF  }
0x96: {  	s16 =	sld [smem:$0x11];
	(tm) =	ssettm $0x1  }
0x97: {  	s17 =	sld [smem:$0x3FFB];
	_ =	sdelay $0x3  }
0x98: {  	_ =	strace s17  }
0x99: {  	s4 =	sld [smem:$0x3FFC];
	_ =	sdelay $0x3  }
0x9a: {  	_ =	strace s4  }
0x9b: {  	s4 =	sld [smem:$0x3FFD];
	_ =	sdelay $0x3  }
0x9c: {  	_ =	strace s4  }
0x9d: {  	_ =	strace $0x8FFFFFFF  }
0x9e: {  	s18 =	sld [smem:$0x3FDB];
	_ =	sdelay $0x1  }
0x9f: {  	s19 =	simm.s32 $_scs_section_size  }
0xa0: {  	s6 =	simm.s32 $_size__tile_overlayer_lowered;
	s7 =	simm.s32 $_tile_overlayer_lowered  }
0xa1: {  	s22 =	simm.s32 $0x1BFF;
	s21 =	sshll.u32 s7, $0x1;
	s4 =	sadd.s32 s19, s18  }
0xa2: {  	s8 =	simm.s32 $0x0;
	s20 =	sshll.u32 s6, $0x1;
	s6 =	sadd.s32 s21, s4  }
0xa3: {  	[timem:s8], [sflag:s22] =	dma.local [hbm:s6], s20  }
0xa4: {  	_ =	swait.ge [sflag:s22], s20  }
0xa5: {  	s5 =	ssub.s32 $0x0, s20;
	[sflag:s22] =	ssyncset.done $0x0  }
0xa6: {  	[sflag:s22] =	ssyncadd.s32 s5;
	_ =	sdelay $0x1  }
0xa7: {  	s23 =	simm.s32 $0x1B8B  }
0xa8: {  	_ =	swait.ge [sflag:s23], $0x1  }
0xa9: {  	[sflag:s23] =	ssyncset.done $0x0  }
0xaa: {  	s25 =	simm.s32 $0x1B8E;
	s24 =	sld [smem:$0x3FFE];
	[sflag:s23] =	ssyncadd.s32 $0xFFFFFFFF  }
0xab: {  	s26 =	simm.s32 $execute0_lowered;
	[smem:$0x3FD2] =	sst s25  }
0xac: {  	s6 =	sshll.u32 s26, $0x1;
	_ =	strace $0x80000046;
	[dreg:$0x1] =	wrdreg $0xFFFFFFFF  }
0xad: {  	s28 =	simm.s32 $_size_execute0_lowered;
	s4 =	sadd.s32 s4, s6;
	[dreg:$0x0] =	wrdreg $0x0  }
0xae: {  	s6 =	sshll.u32 s28, $0x1;
	[dreg:$0x2] =	wrdreg s4  }
0xaf: {  	[dreg:$0x3] =	wrdreg s6  }
0xb0: {  	[dreg:$0x4] =	wrdreg $0xC0  }
0xb1: {  	_ =	task [dreg:s8], $0x5FFFF  }
0xb2: {  	[dreg:$0x1] =	wrdreg $0xFFFFFFFF  }
0xb3: {  	[dreg:$0x0] =	wrdreg $0x60  }
0xb4: {  	[dreg:$0x2] =	wrdreg s15  }
0xb5: {  	[dreg:$0x3] =	wrdreg s24  }
0xb6: {  	[dreg:$0x4] =	wrdreg s16  }
0xb7: {  	[dreg:$0x5] =	wrdreg $0x9  }
0xb8: {  	_ =	task.clear_ibuf [dreg:s8], $0x6FFFF;
	_ =	strace $0x90000046  }
0xb9: {  	s29 =	simm.s32 $0x9;
	_ =	strace $0x80000048  }
0xba: {  	_ =	swait.ge [sflag:s29], $0x1  }
0xbb: {  	[sflag:s29] =	ssyncadd.s32 $0xFFFFFFFF  }
0xbc: {  	_ =	strace $0x90000048  }
0xbd: {  	_ =	sfence  }
0xbe: {  	s30 =	sld [smem:$0x0];
	_ =	sdelay $0x2  }
0xbf: {  	s31 =	sshll.u32 s1, $0xD;
	s1 =	sshrl.u32 s1, $0x2  }
0xc0: {  	s3 =	sand.u32 $0x4000, s31;
	s1 =	sadd.s32 s1, s30  }
0xc1: {  	s0 =	sor.u32 s3, s0;
	s1 =	sshll.u32 s1, $0x11  }
0xc2: {  	s0 =	sor.u32 s1, s0  }
0xc3: {  	s0 =	sadd.s32 $0x8F2B, s0  }
0xc4: {  	[sflag:s0] =	ssyncadd.remote.s32 $0x1  }
0xc5: {  	_ =	sfence.sel $0xFFFF  }
0xc6: {  	[dreg:$0x0] =	wrdreg $0xFFFFFFFF;
	(pc) =	sbr.abs _section_cstart, $3  }
0xc7: {  	[dreg:$0x1] =	wrdreg $0xFFFFFFFF  }
0xc8: {  	_ =	task.clear_ibuf [dreg:s8], $0x2FFFF;
	_ =	strace $0x9FFFFFFF  }
0xc9: {  	(tm) =	ssettm $0x7FFFFFFF  }
tec
execute0_lowered:
.L_overlay_start_1:
0x0: {  	(tag) =	ssettag $0x1  }
0x1: {  	s0 =	srdreg.scid  }
0x2: {  	s5 =	sand.u32 $0x1, s0;
	s0 =	stileid.u32  }
0x3: {  	s6 =	sshll.u32 s0, $0x1;
	s7 =	ssub.s32 $0x0, s5  }
0x4: {  	p0 =	sne.s32 s6, s7  }
.Ltmp0:
0x5: {  	_ = 	snop;
	(pc) =	sbr.rel @p0 .LBB2_5-.Ltmp0, $4  }
0x6: {  	s1 =	rddreg [dreg:$0x0]  }
0x7: {  	s4 =	rddreg [dreg:$0x1]  }
0x8: {  	s3 =	rddreg [dreg:$0x2]  }
0x9: {  	s2 =	rddreg [dreg:$0x3];
	_ =	strace $0x80000047  }
0xa: {  	s5 =	ssub.s32 $0x2, s5;
	s4 =	sadd.s32 $0x187600, s4  }
0xb: {  	s7 =	simm.s32 $0x2;
	s8 =	simm.s32 $0xC8;
	s6 =	sshrl.u32 s5, $0x1  }
0xc: {  	s9 =	simm.s32 $0x1;
	s10 =	simm.s32 $0x32C8;
	s5 =	ssub.s32 s5, s6  }
0xd: {  	s11 =	simm.s32 $0x0;
	s6 =	simm.s32 $0x0;
	s5 =	smax.u32 s5, $0x1  }
.LBB2_2:
0xe: {  	[tilespmem:s6], [sflag:$0x2] =	stream.linear.gather [hbm4b:s1+s6], $0xC8, $0x38;
	[tilespmem:$0x3308] =	vst v63  }
0xf: {  	_ =	swait.ge [sflag:s7], $0xC8  }
0x10: {  	[sflag:s7] =	ssyncset.done $0x0  }
0x11: {  	[sflag:s7] =	ssyncadd.s32 $0xFFFFFF38  }
0x12: {  	[tilespmem:s8], [sflag:$0x1] =	stream.indirect.gather [hbm4b:s4+s8], $0x40, s6, s8, $0xb8;
	[tilespmem:$0x3308] =	vst v63  }
0x13: {  	_ =	swait.ge [sflag:s9], $0x3200  }
0x14: {  	[sflag:s9] =	ssyncset.done $0x0  }
0x15: {  	s13 =	simm.s32 $0x0;
	[sflag:s9] =	ssyncadd.s32 $0xFFFFCE00  }
0x16: {  	v1 =	vld [tilespmem:s13+$0xF8]  }
0x17: {  	v2 =	vld [tilespmem:s13+$0xC8]  }
0x18: {  	v0 =	vimm.f32 $0.0e+00;
	v3 =	vld [tilespmem:s13+$0xD8]  }
0x19: {  	s12 =	simm.s32 $0x100;
	v5 =	vimm.f32 $0.0e+00;
	v6 =	vimm.f32 $0.0e+00;
	v7 =	vimm.f32 $0.0e+00;
	v4 =	vld [tilespmem:s13+$0xE8]  }
.LBB2_3:
0x1a: {  	p0 =	sne.s32 s12, $0xC700  }
.Ltmp1:
0x1b: {  	s13 =	sshra.s32 s12, $0x2;
	s12 =	sadd.s32 $0x100, s12;
	v0 =	vadd.f32 v1, v0;
	(pc) =	sbr.rel @p0 .LBB2_3-.Ltmp1, $4  }
0x1c: {  	v1 =	vld [tilespmem:s13+$0xF8];
	v5 =	vadd.f32 v2, v5  }
0x1d: {  	v2 =	vld [tilespmem:s13+$0xC8];
	v6 =	vadd.f32 v3, v6  }
0x1e: {  	v3 =	vld [tilespmem:s13+$0xD8];
	v7 =	vadd.f32 v4, v7  }
0x1f: {  	v4 =	vld [tilespmem:s13+$0xE8]  }
0x20: {  	_ = 	snop  }
0x21: {  	v0 =	vadd.f32 v1, v0  }
0x22: {  	v2 =	vadd.f32 v2, v5  }
0x23: {  	v3 =	vadd.f32 v3, v6;
	[tilespmem:$0x32F8] =	vst v0  }
0x24: {  	s11 =	sadd.s32 $0x1, s11;
	v4 =	vadd.f32 v4, v7;
	[tilespmem:$0x32C8] =	vst v2  }
0x25: {  	p0 =	sne.s32 s11, s5;
	[tilespmem:$0x32D8] =	vst v3  }
.Ltmp2:
0x26: {  	[tilespmem:$0x32E8] =	vst v4;
	(pc) =	sbr.rel @p0 .LBB2_2-.Ltmp2, $4  }
0x27: {  	[hbm4b:s3+s6] =	stream.linear.scatter [tilespmem:s10], [sflag:$0x2], $0x40, $0x38;
	[tilespmem:$0x3308] =	vst v63  }
0x28: {  	_ =	swait.ge [sflag:s7], $0x40  }
0x29: {  	[sflag:s7] =	ssyncset.done $0x0  }
0x2a: {  	[sflag:s7] =	ssyncadd.s32 $0xFFFFFFC0  }
.LBB2_5:
0x2b: {  	_ =	sfence.sel $0x180000  }
0x2c: {  	[bflag:$0x0] =	sbarrier.arrive $0xFFFF  }
0x2d: {  	p0 =	sne.s32 s0, $0x0;
	_ =	strace $0x90000047  }
0x2e: {  	s0 =	sadd.s32 @!p0 $0x100000, s2;
	[bflag:$0x2] =	sbarrier.arrive $0xFFFF  }
0x2f: {  	[sflag:s0] =	ssyncadd.tile.s32 @!p0 $0x1;
	_ =	shalt  }
.Lfunc_end2:
_tile_overlayer_lowered:
.L_overlay_start_2:
0x30: {  	(tag) =	ssettag $0x2  }
0x31: {  	s0 =	rddreg [dreg:$0x0];
	s2 =	stileid.u32  }
0x32: {  	s1 =	rddreg [dreg:$0x1];
	p0 =	sne.s32 s2, $0x0  }
0x33: {  	s3 =	rddreg [dreg:$0x2];
	[bflag:$0x3] =	sbarrier.arrive $0xFFFF;
	s2 =	simm.s32 @!p0 $0x1C02  }
0x34: {  	[timem:s3], [sflag:s2] =	dma.local @!p0 [hbm:s0], s1  }
0x35: {  	s0 =	simm.s32 @!p0 $0x2  }
0x36: {  	_ =	swait.ge @!p0 [sflag:s0], s1  }
0x37: {  	s1 =	ssub.s32 @!p0 $0x0, s1;
	[sflag:s0] =	ssyncset.done @!p0 $0x0  }
0x38: {  	[sflag:s0] =	ssyncadd.s32 @!p0 s1  }
0x39: {  	[bflag:$0x3] =	sbarrier.arrive $0xFFFF  }
0x3a: {  	_ =	shalt  }

</sc_bundles>
